<compile_context>
chip_gen: v7x
topology: tpu7x:2x2x1
jax: 0.10.2.dev20260603
libtpu: 0.0.44.dev20260713+nightly
codegen_flags: <defaults>
</compile_context>

<pallas_src>
import functools

import jax
import jax.numpy as jnp
import numpy as np
from jax import lax
from jax.experimental import pallas as pl
from jax.experimental.pallas import tpu as pltpu
from jax.experimental.pallas import tpu_sc as plsc

MUL = 64
NB = 8
RMAX = 5.0
EP = 163840
GATHER_CHUNKS = 40
SCATTER_CHUNKS = 80


def _up_body(nf_ref, wu0_ref, wu1_ref, out_ref):
    nf = nf_ref[...]
    wu0 = wu0_ref[...]
    wu1 = wu1_ref[...]
    parts = [jnp.dot(nf[:, :MUL], wu0, preferred_element_type=jnp.float32)]
    for i in range(3):
        parts.append(jnp.dot(nf[:, MUL + 64 * i:MUL + 64 * (i + 1)], wu1,
                             preferred_element_type=jnp.float32))
    x = jnp.concatenate(parts, axis=1) * (1.0 / np.sqrt(MUL))
    lo = lax.bitcast_convert_type(x[:, :2 * MUL].astype(jnp.bfloat16),
                                  jnp.uint16).astype(jnp.uint32)
    hi = lax.bitcast_convert_type(x[:, 2 * MUL:].astype(jnp.bfloat16),
                                  jnp.uint16).astype(jnp.uint32)
    out_ref[...] = lax.bitcast_convert_type(lo | (hi << 16), jnp.int32)


def _linear_up(node_feats, W_up0, W_up1):
    n = node_feats.shape[0]
    bn = 2000
    grid = n // bn
    return pl.pallas_call(
        _up_body,
        grid=(grid,),
        in_specs=[
            pl.BlockSpec((bn, 4 * MUL), lambda i: (i, 0)),
            pl.BlockSpec((MUL, MUL), lambda i: (0, 0)),
            pl.BlockSpec((MUL, MUL), lambda i: (0, 0)),
        ],
        out_specs=pl.BlockSpec((bn, 2 * MUL), lambda i: (i, 0)),
        out_shape=jax.ShapeDtypeStruct((n, 2 * MUL), jnp.int32),
    )(node_feats, W_up0, W_up1)


def _edge_body(ev_ref, el_ref, xs_ref, w1_ref, b1_ref, w2_ref, b2_ref,
               w3_ref, b3_ref, wl0_ref, wl1_ref, scale_ref, outa_ref, outb_ref,
               *, block_e, e_valid):
    ev = ev_ref[...]
    n2 = jnp.sum(ev * ev, axis=1, keepdims=True)
    u = ev / jnp.clip(jnp.sqrt(n2), 1e-12, None)
    sh = np.sqrt(3.0).astype(np.float32) * u

    r = el_ref[...]
    x = jnp.clip(r * (1.0 / RMAX), 0.0, 1.0)
    centers = (lax.broadcasted_iota(jnp.int32, (1, NB), 1).astype(jnp.float32)
               * (1.0 / (NB - 1)))
    d = (x - centers) * float(NB - 1)
    emb = jnp.exp(-0.5 * d * d) * np.sqrt(float(NB)).astype(np.float32)
    emb = emb * (r <= RMAX).astype(jnp.float32)

    h = emb @ w1_ref[...] + b1_ref[...]
    h = h * jax.nn.sigmoid(h)
    h = h @ w2_ref[...] + b2_ref[...]
    h = h * jax.nn.sigmoid(h)
    w = h @ w3_ref[...] + b3_ref[...]

    xi = xs_ref[...]
    xs_lo = lax.bitcast_convert_type(xi << 16, jnp.float32)
    xs_hi = lax.bitcast_convert_type(xi & jnp.int32(-65536), jnp.float32)
    x0s = xs_lo[:, :MUL]
    x1s = [xs_lo[:, MUL:], xs_hi[:, :MUL], xs_hi[:, MUL:]]
    dot31 = (x1s[0] * sh[:, 0:1] + x1s[1] * sh[:, 1:2] + x1s[2] * sh[:, 2:3])

    w0 = w[:, 0 * MUL:1 * MUL]
    w1 = w[:, 1 * MUL:2 * MUL]
    w2 = w[:, 2 * MUL:3 * MUL]
    w3 = w[:, 3 * MUL:4 * MUL]

    wl0 = wl0_ref[...]
    wl1 = wl1_ref[...]
    mid0 = jnp.concatenate([w0 * x0s, w3 * dot31 * (1.0 / np.sqrt(3.0))], axis=1)
    ys = [jnp.dot(mid0, wl0, preferred_element_type=jnp.float32)]
    w1x0 = w1 * x0s
    for i in range(3):
        mid1 = jnp.concatenate([w1x0 * sh[:, i:i + 1], w2 * x1s[i]], axis=1)
        ys.append(jnp.dot(mid1, wl1, preferred_element_type=jnp.float32))
    sc = scale_ref[0, 0]
    row = (pl.program_id(0) * block_e +
           lax.broadcasted_iota(jnp.int32, (ys[0].shape[0], 2 * MUL), 0))
    mask = (row < e_valid).astype(jnp.float32) * sc
    outa_ref[...] = jnp.concatenate(ys[:2], axis=1) * mask
    outb_ref[...] = jnp.concatenate(ys[2:], axis=1) * mask


def _edge_compute(ev_p, el_p, xs, W1, b1, W2, b2, W3, b3, W_l0, W_l1, scale,
                  e_valid):
    be = 2048
    grid = EP // be
    body = functools.partial(_edge_body, block_e=be, e_valid=e_valid)
    return pl.pallas_call(
        body,
        grid=(grid,),
        in_specs=[
            pl.BlockSpec((be, 3), lambda i: (i, 0)),
            pl.BlockSpec((be, 1), lambda i: (i, 0)),
            pl.BlockSpec((be, 2 * MUL), lambda i: (i, 0)),
            pl.BlockSpec((NB, 64), lambda i: (0, 0)),
            pl.BlockSpec((1, 64), lambda i: (0, 0)),
            pl.BlockSpec((64, 64), lambda i: (0, 0)),
            pl.BlockSpec((1, 64), lambda i: (0, 0)),
            pl.BlockSpec((64, 4 * MUL), lambda i: (0, 0)),
            pl.BlockSpec((1, 4 * MUL), lambda i: (0, 0)),
            pl.BlockSpec((2 * MUL, MUL), lambda i: (0, 0)),
            pl.BlockSpec((2 * MUL, MUL), lambda i: (0, 0)),
            pl.BlockSpec((1, 1), lambda i: (0, 0)),
        ],
        out_specs=[pl.BlockSpec((be, 2 * MUL), lambda i: (i, 0)),
                   pl.BlockSpec((be, 2 * MUL), lambda i: (i, 0))],
        out_shape=[jax.ShapeDtypeStruct((EP, 2 * MUL), jnp.float32),
                   jax.ShapeDtypeStruct((EP, 2 * MUL), jnp.float32)],
    )(ev_p, el_p, xs, W1, b1[None, :], W2, b2[None, :], W3, b3[None, :],
      W_l0, W_l1, scale)


def _sc_gather(x_up, senders3):
    mesh = plsc.VectorSubcoreMesh(core_axis_name="c", subcore_axis_name="s")
    d = 4 * MUL

    nbuf = 4
    chunk = 64
    c0_chunks = 80
    pair_chunks = 2 * (EP // (32 * chunk))
    c1_chunks = pair_chunks - c0_chunks
    maxc = max(c0_chunks, c1_chunks)

    @functools.partial(
        pl.kernel, mesh=mesh,
        out_type=jax.ShapeDtypeStruct((EP, d // 2), jnp.int32),
        scratch_types=[
            pltpu.VMEM((maxc, chunk), jnp.int32),
        ] + [pltpu.VMEM((chunk, d // 2), jnp.int32)] * nbuf
          + [pltpu.SemaphoreType.DMA] * nbuf,
    )
    def gk(table_hbm, idx_hbm, out_hbm, idx_v, *bufs_and_sems):
        bufs = bufs_and_sems[:nbuf]
        sems = bufs_and_sems[nbuf:]
        c = lax.axis_index("c")
        s = lax.axis_index("s")
        chunk_start = s * pair_chunks + c * c0_chunks
        count = c0_chunks + c * (c1_chunks - c0_chunks)
        safe_start = jnp.minimum(chunk_start, (EP // chunk) - maxc)
        pltpu.sync_copy(idx_hbm.at[pl.ds(safe_start, maxc)], idx_v)

        def body(t, carry):
            i0 = nbuf * t
            cps = [pltpu.async_copy(table_hbm.at[idx_v.at[i0 + b]], bufs[b],
                                    sems[b]) for b in range(nbuf)]
            for b in range(nbuf):
                cps[b].wait()
                pltpu.sync_copy(
                    bufs[b],
                    out_hbm.at[pl.ds((chunk_start + i0 + b) * chunk, chunk)])
            return carry

        lax.fori_loop(0, count // nbuf, body, 0)

    return gk(x_up, senders3)


def _sc_scatter(ya, yb, recv3, zeros_half, n_pad):
    mesh = plsc.VectorSubcoreMesh(core_axis_name="c", subcore_axis_name="s")
    rows_per_tile = n_pad // 16

    @functools.partial(
        pl.kernel, mesh=mesh,
        out_type=jax.ShapeDtypeStruct((2, n_pad, 128), jnp.float32),
        scratch_types=[
            pltpu.VMEM_SHARED((n_pad, 128), jnp.float32),
            pltpu.VMEM((SCATTER_CHUNKS, 128), jnp.int32),
            pltpu.VMEM((128, 128), jnp.float32),
            pltpu.VMEM((128, 128), jnp.float32),
            pltpu.SemaphoreType.DMA,
            pltpu.SemaphoreType.DMA,
        ],
    )
    def sk(ya_hbm, yb_hbm, idx_hbm, zeros_hbm, out_hbm, accum, idx_v,
           rows0_v, rows1_v, sem0, sem1):
        c = lax.axis_index("c")
        s = lax.axis_index("s")
        nslice = pl.ds(s * rows_per_tile, rows_per_tile)
        pltpu.sync_copy(zeros_hbm.at[nslice], accum.at[nslice])
        pltpu.sync_copy(idx_hbm.at[s], idx_v)
        plsc.subcore_barrier()
        base = s * (SCATTER_CHUNKS * 128)

        def body(t, carry):
            j0 = 2 * t
            sl0 = pl.ds(base + j0 * 128, 128)
            sl1 = pl.ds(base + j0 * 128 + 128, 128)

            @pl.when(c == 0)
            def _():
                cp0 = pltpu.async_copy(ya_hbm.at[sl0], rows0_v, sem0)
                cp1 = pltpu.async_copy(ya_hbm.at[sl1], rows1_v, sem1)
                cp0.wait()
                pltpu.sync_copy(rows0_v, accum.at[idx_v.at[j0]], add=True)
                cp1.wait()
                pltpu.sync_copy(rows1_v, accum.at[idx_v.at[j0 + 1]], add=True)

            @pl.when(c == 1)
            def _():
                cp0 = pltpu.async_copy(yb_hbm.at[sl0], rows0_v, sem0)
                cp1 = pltpu.async_copy(yb_hbm.at[sl1], rows1_v, sem1)
                cp0.wait()
                pltpu.sync_copy(rows0_v, accum.at[idx_v.at[j0]], add=True)
                cp1.wait()
                pltpu.sync_copy(rows1_v, accum.at[idx_v.at[j0 + 1]], add=True)

            return carry

        lax.fori_loop(0, SCATTER_CHUNKS // 2, body, 0)
        plsc.subcore_barrier()
        pltpu.sync_copy(accum.at[nslice], out_hbm.at[c].at[nslice])

    return sk(ya, yb, recv3, zeros_half)


def kernel(node_feats, edge_vec, edge_length, senders, receivers, num_nodes,
           W1, b1, W2, b2, W3, b3, W_up0, W_up1, W_l0, W_l1):
    n = node_feats.shape[0]
    e = senders.shape[0]
    pad = EP - e

    x_up = _linear_up(node_feats, W_up0, W_up1)

    senders_p = jnp.concatenate([senders.astype(jnp.int32),
                                 jnp.zeros((pad,), jnp.int32)])
    receivers_p = jnp.concatenate([receivers.astype(jnp.int32),
                                   jnp.zeros((pad,), jnp.int32)])
    ev_p = jnp.concatenate([edge_vec, jnp.zeros((pad, 3), jnp.float32)])
    el_p = jnp.concatenate([edge_length[:, None],
                            jnp.zeros((pad, 1), jnp.float32)])

    xs = _sc_gather(x_up, senders_p.reshape(EP // 64, 64))

    avg = e / jnp.maximum(jnp.asarray(num_nodes, jnp.float32), 1.0)
    scale = (1.0 / (np.sqrt(2.0 * MUL) * jnp.maximum(avg, 1e-8)))
    scale = scale.astype(jnp.float32).reshape(1, 1)

    ya, yb = _edge_compute(ev_p, el_p, xs, W1, b1, W2, b2, W3, b3, W_l0, W_l1,
                           scale, e)

    n_pad = 10240
    zeros_half = jnp.zeros((n_pad, 128), jnp.float32)
    acc = _sc_scatter(ya, yb, receivers_p.reshape(16, SCATTER_CHUNKS, 128),
                      zeros_half, n_pad)

    return jnp.concatenate([acc[0, :n], acc[1, :n]], axis=1)

# --- scband reference (transcript-rebuilt; emitter-appended) ---
"""Pipeline reference for scband-cue-channelwise-edge-conv-13469017440867 (READ-ONLY COPY).

The authoritative reference and input builder live on the scoring server;
editing this copy changes nothing except your own understanding.
"""

import jax, jax.numpy as jnp
import numpy as np

N = 10000
E = 160000
MUL = 64
NB = 8
RMAX = 5.0


def _radial_embedding(r):
    # gaussian soft-one-hot over [0, RMAX], matching _radial_embedding in the torch module
    x = jnp.clip(r / RMAX, 0.0, 1.0)
    idx = jnp.arange(NB, dtype=r.dtype)
    centers = idx / (NB - 1)
    sigma = 1.0 / (NB - 1)
    emb = jnp.exp(-0.5 * ((x[:, None] - centers[None, :]) / max(sigma, 1e-06)) ** 2)
    emb = emb * NB ** 0.5
    emb = emb * (r <= RMAX).astype(r.dtype)[:, None]
    return emb


def setup_inputs(seed: int = 0) -> dict:
    key = jax.random.key(seed)
    ks = jax.random.split(key, 16)
    node_feats = jax.random.normal(ks[0], (N, 4 * MUL), jnp.float32)
    edge_vec = jax.random.normal(ks[1], (E, 3), jnp.float32)
    edge_length = jax.random.uniform(ks[2], (E,), jnp.float32)
    senders = jax.random.randint(ks[3], (E,), 0, N)
    receivers = jax.random.randint(ks[4], (E,), 0, N)
    # radial MLP: NB -> 64 -> 64 -> weight_numel (4 paths * MUL = 256)
    W1 = jax.random.normal(ks[5], (NB, 64), jnp.float32) / np.sqrt(NB)
    b1 = jnp.zeros((64,), jnp.float32)
    W2 = jax.random.normal(ks[6], (64, 64), jnp.float32) / 8.0
    b2 = jnp.zeros((64,), jnp.float32)
    W3 = jax.random.normal(ks[7], (64, 4 * MUL), jnp.float32) / 8.0
    b3 = jnp.zeros((4 * MUL,), jnp.float32)
    # equivariant linear_up: 64x0e+64x1o -> 64x0e+64x1o (one mixing matrix per irrep type)
    W_up0 = jax.random.normal(ks[8], (MUL, MUL), jnp.float32)
    W_up1 = jax.random.normal(ks[9], (MUL, MUL), jnp.float32)
    # final equivariant linear: 128x0e+128x1o (mid) -> 64x0e+64x1o
    W_l0 = jax.random.normal(ks[10], (2 * MUL, MUL), jnp.float32)
    W_l1 = jax.random.normal(ks[11], (2 * MUL, MUL), jnp.float32)
    return {"node_feats": node_feats, "edge_vec": edge_vec, "edge_length": edge_length,
            "senders": senders, "receivers": receivers, "num_nodes": N,
            "W1": W1, "b1": b1, "W2": W2, "b2": b2, "W3": W3, "b3": b3,
            "W_up0": W_up0, "W_up1": W_up1, "W_l0": W_l0, "W_l1": W_l1}


def reference(node_feats, edge_vec, edge_length, senders, receivers, num_nodes,
              W1, b1, W2, b2, W3, b3, W_up0, W_up1, W_l0, W_l1):
    num_nodes_static = node_feats.shape[0]
    # spherical harmonics lmax=1, normalize=True, component normalization (Y0=1, Y1=sqrt(3)*u)
    u = edge_vec / jnp.clip(jnp.linalg.norm(edge_vec, axis=1, keepdims=True), 1e-12, None)
    sh1 = jnp.sqrt(3.0) * u  # (E, 3)
    # radial embedding -> MLP -> per-edge tensor-product weights
    emb = _radial_embedding(edge_length)
    h = jax.nn.silu(emb @ W1 + b1)
    h = jax.nn.silu(h @ W2 + b2)
    w = h @ W3 + b3  # (E, 4*MUL)
    # linear_up (fan-in normalized equivariant linear, ir_mul layout)
    x0 = node_feats[:, :MUL] @ W_up0 / jnp.sqrt(MUL)                      # (N, MUL) scalars
    x1 = node_feats[:, MUL:].reshape(-1, 3, MUL) @ W_up1 / jnp.sqrt(MUL)  # (N, 3, MUL) vectors
    # gather source node features per edge (SparseCore gather)
    x0s = jnp.take(x0, senders, axis=0)
    x1s = jnp.take(x1, senders, axis=0)
    # channelwise tensor product, 4 paths filtered to [0e, 1o]
    w0 = w[:, 0 * MUL:1 * MUL]
    w1 = w[:, 1 * MUL:2 * MUL]
    w2 = w[:, 2 * MUL:3 * MUL]
    w3 = w[:, 3 * MUL:4 * MUL]
    out0a = w0 * x0s                                                    # 0e x 0e -> 0e
    out0b = w3 * jnp.einsum('eim,ei->em', x1s, sh1) / jnp.sqrt(3.0)     # 1o x 1o -> 0e
    out1a = w1[:, None, :] * x0s[:, None, :] * sh1[:, :, None]          # 0e x 1o -> 1o
    out1b = w2[:, None, :] * x1s                                        # 1o x 0e -> 1o
    mid0 = jnp.concatenate([out0a, out0b], axis=-1)      # (E, 2*MUL)  128x0e
    mid1 = jnp.concatenate([out1a, out1b], axis=-1)      # (E, 3, 2*MUL)  128x1o
    # scatter-add over receivers (SparseCore scatter)
    m0 = jax.ops.segment_sum(mid0, receivers, num_segments=num_nodes_static)
    m1 = jax.ops.segment_sum(mid1.reshape(mid1.shape[0], -1), receivers, num_segments=num_nodes_static)
    m1 = m1.reshape(num_nodes_static, 3, 2 * MUL)
    # final equivariant linear
    y0 = m0 @ W_l0 / jnp.sqrt(2 * MUL)
    y1 = (m1 @ W_l1 / jnp.sqrt(2 * MUL)).reshape(num_nodes_static, 3 * MUL)
    msg = jnp.concatenate([y0, y1], axis=-1)  # (N, 4*MUL)
    # force_naive avg = n_edges / n_nodes
    avg = senders.shape[0] / jnp.maximum(jnp.asarray(num_nodes, jnp.float32), 1.0)
    msg = msg / jnp.maximum(avg, 1e-08)
    return msg

if __name__ == "__main__":
    import jax
    _d = setup_inputs()
    print(jax.jit(kernel)(*tuple(_d.values())))

</pallas_src>

<mosaic_0001>
#map = affine_map<(d0, d1) -> (0, 0)>
#map1 = affine_map<(d0, d1) -> (0, 0, 0)>
module attributes {stable_mosaic.version = 14 : i64} {
  func.func @sk(%arg0: i32, %arg1: i32, %arg2: memref<163840x128xf32, #tpu.memory_space<hbm>>, %arg3: memref<163840x128xf32, #tpu.memory_space<hbm>>, %arg4: memref<16x80x128xi32, #tpu.memory_space<hbm>>, %arg5: memref<10240x128xf32, #tpu.memory_space<hbm>>, %arg6: memref<2x10240x128xf32, #tpu.memory_space<hbm>>, %arg7: memref<10240x128xf32, #tpu.memory_space<vmem_shared>>, %arg8: memref<80x128xi32, #tpu.memory_space<vmem>>, %arg9: memref<128x128xf32, #tpu.memory_space<vmem>>, %arg10: memref<128x128xf32, #tpu.memory_space<vmem>>, %arg11: memref<!tpu.dma_semaphore, #tpu.memory_space<semaphore_mem>>, %arg12: memref<!tpu.dma_semaphore, #tpu.memory_space<semaphore_mem>>) attributes {dimension_semantics = [#tpu.dimension_semantics<core_parallel>, #tpu.dimension_semantics<subcore_parallel>], iteration_bounds = array<i64: 2, 16>, scalar_prefetch = 0 : i64, scratch_operands = 6 : i64, tpu.core_type = #tpu.core_type<sc_vector_subcore>, window_params = [{transform_indices = #map}, {transform_indices = #map}, {transform_indices = #map1}, {transform_indices = #map}, {transform_indices = #map1}]} {
    %mul3A = arith.constant 640 : i32
    %mul3A_0 = arith.muli %arg1, %mul3A : i32
    "tpu.region"() ({
      %run_scoped3A = tpu.sem_alloc : memref<!tpu.dma_semaphore, #tpu.memory_space<semaphore_mem>>
      %dma_start3A = arith.constant 0 : i32
      %dma_start3A_9 = tpu.memref_slice %arg7[%mul3A_0, %dma_start3A] : memref<10240x128xf32, #tpu.memory_space<vmem_shared>> -> memref<640x128xf32, #tpu.memory_space<vmem_shared>>
      %dma_start3A_10 = arith.constant 0 : i32
      %dma_start3A_11 = tpu.memref_slice %arg5[%mul3A_0, %dma_start3A_10] : memref<10240x128xf32, #tpu.memory_space<hbm>> -> memref<640x128xf32, #tpu.memory_space<hbm>>
      tpu.enqueue_dma source(%dma_start3A_11 : memref<640x128xf32, #tpu.memory_space<hbm>>) target(%dma_start3A_9 : memref<640x128xf32, #tpu.memory_space<vmem_shared>>) target_semaphore(%run_scoped3A : memref<!tpu.dma_semaphore, #tpu.memory_space<semaphore_mem>>)
      %dma_wait3A = arith.constant 0 : i32
      %dma_wait3A_12 = tpu.memref_slice %arg7[%mul3A_0, %dma_wait3A] : memref<10240x128xf32, #tpu.memory_space<vmem_shared>> -> memref<640x128xf32, #tpu.memory_space<vmem_shared>>
      %dma_wait3A_13 = arith.constant 0 : i32
      %dma_wait3A_14 = tpu.memref_slice %arg5[%mul3A_0, %dma_wait3A_13] : memref<10240x128xf32, #tpu.memory_space<hbm>> -> memref<640x128xf32, #tpu.memory_space<hbm>>
      tpu.wait_dma2 semaphore(%run_scoped3A : memref<!tpu.dma_semaphore, #tpu.memory_space<semaphore_mem>>) src(%dma_wait3A_14 : memref<640x128xf32, #tpu.memory_space<hbm>>) dst(%dma_wait3A_12 : memref<640x128xf32, #tpu.memory_space<vmem_shared>>)
      tpu.yield
    }) : () -> ()
    "tpu.region"() ({
      %run_scoped3A = tpu.sem_alloc : memref<!tpu.dma_semaphore, #tpu.memory_space<semaphore_mem>>
      %dma_start3A = arith.constant 0 : i32
      %dma_start3A_9 = arith.constant 0 : i32
      %dma_start3A_10 = tpu.memref_slice %arg4[%arg1, %dma_start3A, %dma_start3A_9] : memref<16x80x128xi32, #tpu.memory_space<hbm>> -> memref<1x80x128xi32, #tpu.memory_space<hbm>>
      %dma_start3A_11 = tpu.memref_squeeze %dma_start3A_10 : memref<1x80x128xi32, #tpu.memory_space<hbm>> -> memref<80x128xi32, #tpu.memory_space<hbm>>
      %dma_start3A_12 = arith.constant 0 : i32
      %dma_start3A_13 = arith.constant 0 : i32
      %dma_start3A_14 = tpu.memref_slice %arg4[%arg1, %dma_start3A_12, %dma_start3A_13] : memref<16x80x128xi32, #tpu.memory_space<hbm>> -> memref<1x80x128xi32, #tpu.memory_space<hbm>>
      %dma_start3A_15 = tpu.memref_squeeze %dma_start3A_14 : memref<1x80x128xi32, #tpu.memory_space<hbm>> -> memref<80x128xi32, #tpu.memory_space<hbm>>
      tpu.enqueue_dma source(%dma_start3A_15 : memref<80x128xi32, #tpu.memory_space<hbm>>) target(%arg8 : memref<80x128xi32, #tpu.memory_space<vmem>>) target_semaphore(%run_scoped3A : memref<!tpu.dma_semaphore, #tpu.memory_space<semaphore_mem>>)
      %dma_wait3A = arith.constant 0 : i32
      %dma_wait3A_16 = arith.constant 0 : i32
      %dma_wait3A_17 = tpu.memref_slice %arg4[%arg1, %dma_wait3A, %dma_wait3A_16] : memref<16x80x128xi32, #tpu.memory_space<hbm>> -> memref<1x80x128xi32, #tpu.memory_space<hbm>>
      %dma_wait3A_18 = tpu.memref_squeeze %dma_wait3A_17 : memref<1x80x128xi32, #tpu.memory_space<hbm>> -> memref<80x128xi32, #tpu.memory_space<hbm>>
      %dma_wait3A_19 = arith.constant 0 : i32
      %dma_wait3A_20 = arith.constant 0 : i32
      %dma_wait3A_21 = tpu.memref_slice %arg4[%arg1, %dma_wait3A_19, %dma_wait3A_20] : memref<16x80x128xi32, #tpu.memory_space<hbm>> -> memref<1x80x128xi32, #tpu.memory_space<hbm>>
      %dma_wait3A_22 = tpu.memref_squeeze %dma_wait3A_21 : memref<1x80x128xi32, #tpu.memory_space<hbm>> -> memref<80x128xi32, #tpu.memory_space<hbm>>
      tpu.wait_dma2 semaphore(%run_scoped3A : memref<!tpu.dma_semaphore, #tpu.memory_space<semaphore_mem>>) src(%dma_wait3A_22 : memref<80x128xi32, #tpu.memory_space<hbm>>) dst(%arg8 : memref<80x128xi32, #tpu.memory_space<vmem>>)
      tpu.yield
    }) : () -> ()
    %barrier3A = arith.constant 0 : index
    tpu.barrier barrier_id(%barrier3A)
    %mul3A_1 = arith.constant 10240 : i32
    %mul3A_2 = arith.muli %arg1, %mul3A_1 : i32
    %scan3A = arith.constant 0 : i32
    %scan3A_3 = arith.constant 0 : i32
    %scan3A_4 = arith.constant 40 : i32
    %scan3A_5 = arith.addi %scan3A_3, %scan3A_4 : i32
    %scan3A_6 = arith.constant 1 : i32
    scf.for %scan3A_9 = %scan3A_3 to %scan3A_5 step %scan3A_6  : i32 {
      %mul3A_10 = arith.constant 2 : i32
      %mul3A_11 = arith.muli %mul3A_10, %scan3A_9 : i32
      %mul3A_12 = arith.constant 128 : i32
      %mul3A_13 = arith.muli %mul3A_11, %mul3A_12 : i32
      %add3A = arith.addi %mul3A_2, %mul3A_13 : i32
      %mul3A_14 = arith.constant 128 : i32
      %mul3A_15 = arith.muli %mul3A_11, %mul3A_14 : i32
      %add3A_16 = arith.addi %mul3A_2, %mul3A_15 : i32
      %add3A_17 = arith.constant 128 : i32
      %add3A_18 = arith.addi %add3A_16, %add3A_17 : i32
      %eq3A = arith.constant 0 : i32
      %eq3A_19 = arith.cmpi eq, %arg0, %eq3A : i32
      %convert_element_type3A = arith.extui %eq3A_19 : i1 to i32
      %cond3A = arith.constant 0 : i32
      %cond3A_20 = arith.cmpi ne, %convert_element_type3A, %cond3A : i32
      scf.if %cond3A_20 {
        %dma_start3A = arith.constant 0 : i32
        %dma_start3A_26 = tpu.memref_slice %arg2[%add3A, %dma_start3A] : memref<163840x128xf32, #tpu.memory_space<hbm>> -> memref<128x128xf32, #tpu.memory_space<hbm>>
        %dma_start3A_27 = arith.constant 0 : i32
        %dma_start3A_28 = tpu.memref_slice %arg2[%add3A, %dma_start3A_27] : memref<163840x128xf32, #tpu.memory_space<hbm>> -> memref<128x128xf32, #tpu.memory_space<hbm>>
        tpu.enqueue_dma source(%dma_start3A_28 : memref<128x128xf32, #tpu.memory_space<hbm>>) target(%arg9 : memref<128x128xf32, #tpu.memory_space<vmem>>) target_semaphore(%arg11 : memref<!tpu.dma_semaphore, #tpu.memory_space<semaphore_mem>>)
        %dma_start3A_29 = arith.constant 0 : i32
        %dma_start3A_30 = tpu.memref_slice %arg2[%add3A_18, %dma_start3A_29] : memref<163840x128xf32, #tpu.memory_space<hbm>> -> memref<128x128xf32, #tpu.memory_space<hbm>>
        %dma_start3A_31 = arith.constant 0 : i32
        %dma_start3A_32 = tpu.memref_slice %arg2[%add3A_18, %dma_start3A_31] : memref<163840x128xf32, #tpu.memory_space<hbm>> -> memref<128x128xf32, #tpu.memory_space<hbm>>
        tpu.enqueue_dma source(%dma_start3A_32 : memref<128x128xf32, #tpu.memory_space<hbm>>) target(%arg10 : memref<128x128xf32, #tpu.memory_space<vmem>>) target_semaphore(%arg12 : memref<!tpu.dma_semaphore, #tpu.memory_space<semaphore_mem>>)
        %dma_wait3A = arith.constant 0 : i32
        %dma_wait3A_33 = tpu.memref_slice %arg2[%add3A, %dma_wait3A] : memref<163840x128xf32, #tpu.memory_space<hbm>> -> memref<128x128xf32, #tpu.memory_space<hbm>>
        %dma_wait3A_34 = arith.constant 0 : i32
        %dma_wait3A_35 = tpu.memref_slice %arg2[%add3A, %dma_wait3A_34] : memref<163840x128xf32, #tpu.memory_space<hbm>> -> memref<128x128xf32, #tpu.memory_space<hbm>>
        tpu.wait_dma2 semaphore(%arg11 : memref<!tpu.dma_semaphore, #tpu.memory_space<semaphore_mem>>) src(%dma_wait3A_35 : memref<128x128xf32, #tpu.memory_space<hbm>>) dst(%arg9 : memref<128x128xf32, #tpu.memory_space<vmem>>)
        "tpu.region"() ({
          %run_scoped3A = tpu.sem_alloc : memref<!tpu.dma_semaphore, #tpu.memory_space<semaphore_mem>>
          %dma_start3A_42 = arith.constant 0 : i32
          %dma_start3A_43 = tpu.memref_slice %arg8[%mul3A_11, %dma_start3A_42] : memref<80x128xi32, #tpu.memory_space<vmem>> -> memref<1x128xi32, #tpu.memory_space<vmem>>
          %dma_start3A_44 = tpu.memref_squeeze %dma_start3A_43 : memref<1x128xi32, #tpu.memory_space<vmem>> -> memref<128xi32, #tpu.memory_space<vmem>>
          %dma_start3A_45 = arith.constant 0 : i32
          %dma_start3A_46 = arith.constant 0 : i32
          %dma_start3A_47 = tpu.memref_slice %arg7[%dma_start3A_45, %dma_start3A_46] : memref<10240x128xf32, #tpu.memory_space<vmem_shared>> -> memref<10240x128xf32, #tpu.memory_space<vmem_shared>>
          tpu.enqueue_indirect_dma source(%arg9 : memref<128x128xf32, #tpu.memory_space<vmem>>) target(%dma_start3A_47 : memref<10240x128xf32, #tpu.memory_space<vmem_shared>>) offsets(%dma_start3A_44 : memref<128xi32, #tpu.memory_space<vmem>>) semaphore(%run_scoped3A : memref<!tpu.dma_semaphore, #tpu.memory_space<semaphore_mem>>) {add = true}
          %dma_wait3A_48 = arith.constant 0 : i32
          %dma_wait3A_49 = tpu.memref_slice %arg8[%mul3A_11, %dma_wait3A_48] : memref<80x128xi32, #tpu.memory_space<vmem>> -> memref<1x128xi32, #tpu.memory_space<vmem>>
          %dma_wait3A_50 = tpu.memref_squeeze %dma_wait3A_49 : memref<1x128xi32, #tpu.memory_space<vmem>> -> memref<128xi32, #tpu.memory_space<vmem>>
          %dma_wait3A_51 = arith.constant 0 : i32
          %dma_wait3A_52 = arith.constant 0 : i32
          %dma_wait3A_53 = tpu.memref_slice %arg7[%dma_wait3A_51, %dma_wait3A_52] : memref<10240x128xf32, #tpu.memory_space<vmem_shared>> -> memref<10240x128xf32, #tpu.memory_space<vmem_shared>>
          tpu.wait_indirect_dma semaphore(%run_scoped3A : memref<!tpu.dma_semaphore, #tpu.memory_space<semaphore_mem>>) src(%arg9 : memref<128x128xf32, #tpu.memory_space<vmem>>) dst(%dma_wait3A_53 : memref<10240x128xf32, #tpu.memory_space<vmem_shared>>)
          tpu.yield
        }) : () -> ()
        %dma_wait3A_36 = arith.constant 0 : i32
        %dma_wait3A_37 = tpu.memref_slice %arg2[%add3A_18, %dma_wait3A_36] : memref<163840x128xf32, #tpu.memory_space<hbm>> -> memref<128x128xf32, #tpu.memory_space<hbm>>
        %dma_wait3A_38 = arith.constant 0 : i32
        %dma_wait3A_39 = tpu.memref_slice %arg2[%add3A_18, %dma_wait3A_38] : memref<163840x128xf32, #tpu.memory_space<hbm>> -> memref<128x128xf32, #tpu.memory_space<hbm>>
        tpu.wait_dma2 semaphore(%arg12 : memref<!tpu.dma_semaphore, #tpu.memory_space<semaphore_mem>>) src(%dma_wait3A_39 : memref<128x128xf32, #tpu.memory_space<hbm>>) dst(%arg10 : memref<128x128xf32, #tpu.memory_space<vmem>>)
        %add3A_40 = arith.constant 1 : i32
        %add3A_41 = arith.addi %mul3A_11, %add3A_40 : i32
        "tpu.region"() ({
          %run_scoped3A = tpu.sem_alloc : memref<!tpu.dma_semaphore, #tpu.memory_space<semaphore_mem>>
          %dma_start3A_42 = arith.constant 0 : i32
          %dma_start3A_43 = tpu.memref_slice %arg8[%add3A_41, %dma_start3A_42] : memref<80x128xi32, #tpu.memory_space<vmem>> -> memref<1x128xi32, #tpu.memory_space<vmem>>
          %dma_start3A_44 = tpu.memref_squeeze %dma_start3A_43 : memref<1x128xi32, #tpu.memory_space<vmem>> -> memref<128xi32, #tpu.memory_space<vmem>>
          %dma_start3A_45 = arith.constant 0 : i32
          %dma_start3A_46 = arith.constant 0 : i32
          %dma_start3A_47 = tpu.memref_slice %arg7[%dma_start3A_45, %dma_start3A_46] : memref<10240x128xf32, #tpu.memory_space<vmem_shared>> -> memref<10240x128xf32, #tpu.memory_space<vmem_shared>>
          tpu.enqueue_indirect_dma source(%arg10 : memref<128x128xf32, #tpu.memory_space<vmem>>) target(%dma_start3A_47 : memref<10240x128xf32, #tpu.memory_space<vmem_shared>>) offsets(%dma_start3A_44 : memref<128xi32, #tpu.memory_space<vmem>>) semaphore(%run_scoped3A : memref<!tpu.dma_semaphore, #tpu.memory_space<semaphore_mem>>) {add = true}
          %dma_wait3A_48 = arith.constant 0 : i32
          %dma_wait3A_49 = tpu.memref_slice %arg8[%add3A_41, %dma_wait3A_48] : memref<80x128xi32, #tpu.memory_space<vmem>> -> memref<1x128xi32, #tpu.memory_space<vmem>>
          %dma_wait3A_50 = tpu.memref_squeeze %dma_wait3A_49 : memref<1x128xi32, #tpu.memory_space<vmem>> -> memref<128xi32, #tpu.memory_space<vmem>>
          %dma_wait3A_51 = arith.constant 0 : i32
          %dma_wait3A_52 = arith.constant 0 : i32
          %dma_wait3A_53 = tpu.memref_slice %arg7[%dma_wait3A_51, %dma_wait3A_52] : memref<10240x128xf32, #tpu.memory_space<vmem_shared>> -> memref<10240x128xf32, #tpu.memory_space<vmem_shared>>
          tpu.wait_indirect_dma semaphore(%run_scoped3A : memref<!tpu.dma_semaphore, #tpu.memory_space<semaphore_mem>>) src(%arg10 : memref<128x128xf32, #tpu.memory_space<vmem>>) dst(%dma_wait3A_53 : memref<10240x128xf32, #tpu.memory_space<vmem_shared>>)
          tpu.yield
        }) : () -> ()
      } else {
      }
      %eq3A_21 = arith.constant 1 : i32
      %eq3A_22 = arith.cmpi eq, %arg0, %eq3A_21 : i32
      %convert_element_type3A_23 = arith.extui %eq3A_22 : i1 to i32
      %cond3A_24 = arith.constant 0 : i32
      %cond3A_25 = arith.cmpi ne, %convert_element_type3A_23, %cond3A_24 : i32
      scf.if %cond3A_25 {
        %dma_start3A = arith.constant 0 : i32
        %dma_start3A_26 = tpu.memref_slice %arg3[%add3A, %dma_start3A] : memref<163840x128xf32, #tpu.memory_space<hbm>> -> memref<128x128xf32, #tpu.memory_space<hbm>>
        %dma_start3A_27 = arith.constant 0 : i32
        %dma_start3A_28 = tpu.memref_slice %arg3[%add3A, %dma_start3A_27] : memref<163840x128xf32, #tpu.memory_space<hbm>> -> memref<128x128xf32, #tpu.memory_space<hbm>>
        tpu.enqueue_dma source(%dma_start3A_28 : memref<128x128xf32, #tpu.memory_space<hbm>>) target(%arg9 : memref<128x128xf32, #tpu.memory_space<vmem>>) target_semaphore(%arg11 : memref<!tpu.dma_semaphore, #tpu.memory_space<semaphore_mem>>)
        %dma_start3A_29 = arith.constant 0 : i32
        %dma_start3A_30 = tpu.memref_slice %arg3[%add3A_18, %dma_start3A_29] : memref<163840x128xf32, #tpu.memory_space<hbm>> -> memref<128x128xf32, #tpu.memory_space<hbm>>
        %dma_start3A_31 = arith.constant 0 : i32
        %dma_start3A_32 = tpu.memref_slice %arg3[%add3A_18, %dma_start3A_31] : memref<163840x128xf32, #tpu.memory_space<hbm>> -> memref<128x128xf32, #tpu.memory_space<hbm>>
        tpu.enqueue_dma source(%dma_start3A_32 : memref<128x128xf32, #tpu.memory_space<hbm>>) target(%arg10 : memref<128x128xf32, #tpu.memory_space<vmem>>) target_semaphore(%arg12 : memref<!tpu.dma_semaphore, #tpu.memory_space<semaphore_mem>>)
        %dma_wait3A = arith.constant 0 : i32
        %dma_wait3A_33 = tpu.memref_slice %arg3[%add3A, %dma_wait3A] : memref<163840x128xf32, #tpu.memory_space<hbm>> -> memref<128x128xf32, #tpu.memory_space<hbm>>
        %dma_wait3A_34 = arith.constant 0 : i32
        %dma_wait3A_35 = tpu.memref_slice %arg3[%add3A, %dma_wait3A_34] : memref<163840x128xf32, #tpu.memory_space<hbm>> -> memref<128x128xf32, #tpu.memory_space<hbm>>
        tpu.wait_dma2 semaphore(%arg11 : memref<!tpu.dma_semaphore, #tpu.memory_space<semaphore_mem>>) src(%dma_wait3A_35 : memref<128x128xf32, #tpu.memory_space<hbm>>) dst(%arg9 : memref<128x128xf32, #tpu.memory_space<vmem>>)
        "tpu.region"() ({
          %run_scoped3A = tpu.sem_alloc : memref<!tpu.dma_semaphore, #tpu.memory_space<semaphore_mem>>
          %dma_start3A_42 = arith.constant 0 : i32
          %dma_start3A_43 = tpu.memref_slice %arg8[%mul3A_11, %dma_start3A_42] : memref<80x128xi32, #tpu.memory_space<vmem>> -> memref<1x128xi32, #tpu.memory_space<vmem>>
          %dma_start3A_44 = tpu.memref_squeeze %dma_start3A_43 : memref<1x128xi32, #tpu.memory_space<vmem>> -> memref<128xi32, #tpu.memory_space<vmem>>
          %dma_start3A_45 = arith.constant 0 : i32
          %dma_start3A_46 = arith.constant 0 : i32
          %dma_start3A_47 = tpu.memref_slice %arg7[%dma_start3A_45, %dma_start3A_46] : memref<10240x128xf32, #tpu.memory_space<vmem_shared>> -> memref<10240x128xf32, #tpu.memory_space<vmem_shared>>
          tpu.enqueue_indirect_dma source(%arg9 : memref<128x128xf32, #tpu.memory_space<vmem>>) target(%dma_start3A_47 : memref<10240x128xf32, #tpu.memory_space<vmem_shared>>) offsets(%dma_start3A_44 : memref<128xi32, #tpu.memory_space<vmem>>) semaphore(%run_scoped3A : memref<!tpu.dma_semaphore, #tpu.memory_space<semaphore_mem>>) {add = true}
          %dma_wait3A_48 = arith.constant 0 : i32
          %dma_wait3A_49 = tpu.memref_slice %arg8[%mul3A_11, %dma_wait3A_48] : memref<80x128xi32, #tpu.memory_space<vmem>> -> memref<1x128xi32, #tpu.memory_space<vmem>>
          %dma_wait3A_50 = tpu.memref_squeeze %dma_wait3A_49 : memref<1x128xi32, #tpu.memory_space<vmem>> -> memref<128xi32, #tpu.memory_space<vmem>>
          %dma_wait3A_51 = arith.constant 0 : i32
          %dma_wait3A_52 = arith.constant 0 : i32
          %dma_wait3A_53 = tpu.memref_slice %arg7[%dma_wait3A_51, %dma_wait3A_52] : memref<10240x128xf32, #tpu.memory_space<vmem_shared>> -> memref<10240x128xf32, #tpu.memory_space<vmem_shared>>
          tpu.wait_indirect_dma semaphore(%run_scoped3A : memref<!tpu.dma_semaphore, #tpu.memory_space<semaphore_mem>>) src(%arg9 : memref<128x128xf32, #tpu.memory_space<vmem>>) dst(%dma_wait3A_53 : memref<10240x128xf32, #tpu.memory_space<vmem_shared>>)
          tpu.yield
        }) : () -> ()
        %dma_wait3A_36 = arith.constant 0 : i32
        %dma_wait3A_37 = tpu.memref_slice %arg3[%add3A_18, %dma_wait3A_36] : memref<163840x128xf32, #tpu.memory_space<hbm>> -> memref<128x128xf32, #tpu.memory_space<hbm>>
        %dma_wait3A_38 = arith.constant 0 : i32
        %dma_wait3A_39 = tpu.memref_slice %arg3[%add3A_18, %dma_wait3A_38] : memref<163840x128xf32, #tpu.memory_space<hbm>> -> memref<128x128xf32, #tpu.memory_space<hbm>>
        tpu.wait_dma2 semaphore(%arg12 : memref<!tpu.dma_semaphore, #tpu.memory_space<semaphore_mem>>) src(%dma_wait3A_39 : memref<128x128xf32, #tpu.memory_space<hbm>>) dst(%arg10 : memref<128x128xf32, #tpu.memory_space<vmem>>)
        %add3A_40 = arith.constant 1 : i32
        %add3A_41 = arith.addi %mul3A_11, %add3A_40 : i32
        "tpu.region"() ({
          %run_scoped3A = tpu.sem_alloc : memref<!tpu.dma_semaphore, #tpu.memory_space<semaphore_mem>>
          %dma_start3A_42 = arith.constant 0 : i32
          %dma_start3A_43 = tpu.memref_slice %arg8[%add3A_41, %dma_start3A_42] : memref<80x128xi32, #tpu.memory_space<vmem>> -> memref<1x128xi32, #tpu.memory_space<vmem>>
          %dma_start3A_44 = tpu.memref_squeeze %dma_start3A_43 : memref<1x128xi32, #tpu.memory_space<vmem>> -> memref<128xi32, #tpu.memory_space<vmem>>
          %dma_start3A_45 = arith.constant 0 : i32
          %dma_start3A_46 = arith.constant 0 : i32
          %dma_start3A_47 = tpu.memref_slice %arg7[%dma_start3A_45, %dma_start3A_46] : memref<10240x128xf32, #tpu.memory_space<vmem_shared>> -> memref<10240x128xf32, #tpu.memory_space<vmem_shared>>
          tpu.enqueue_indirect_dma source(%arg10 : memref<128x128xf32, #tpu.memory_space<vmem>>) target(%dma_start3A_47 : memref<10240x128xf32, #tpu.memory_space<vmem_shared>>) offsets(%dma_start3A_44 : memref<128xi32, #tpu.memory_space<vmem>>) semaphore(%run_scoped3A : memref<!tpu.dma_semaphore, #tpu.memory_space<semaphore_mem>>) {add = true}
          %dma_wait3A_48 = arith.constant 0 : i32
          %dma_wait3A_49 = tpu.memref_slice %arg8[%add3A_41, %dma_wait3A_48] : memref<80x128xi32, #tpu.memory_space<vmem>> -> memref<1x128xi32, #tpu.memory_space<vmem>>
          %dma_wait3A_50 = tpu.memref_squeeze %dma_wait3A_49 : memref<1x128xi32, #tpu.memory_space<vmem>> -> memref<128xi32, #tpu.memory_space<vmem>>
          %dma_wait3A_51 = arith.constant 0 : i32
          %dma_wait3A_52 = arith.constant 0 : i32
          %dma_wait3A_53 = tpu.memref_slice %arg7[%dma_wait3A_51, %dma_wait3A_52] : memref<10240x128xf32, #tpu.memory_space<vmem_shared>> -> memref<10240x128xf32, #tpu.memory_space<vmem_shared>>
          tpu.wait_indirect_dma semaphore(%run_scoped3A : memref<!tpu.dma_semaphore, #tpu.memory_space<semaphore_mem>>) src(%arg10 : memref<128x128xf32, #tpu.memory_space<vmem>>) dst(%dma_wait3A_53 : memref<10240x128xf32, #tpu.memory_space<vmem_shared>>)
          tpu.yield
        }) : () -> ()
      } else {
      }
    }
    %scan3A_7 = arith.constant 40 : i32
    %barrier3A_8 = arith.constant 0 : index
    tpu.barrier barrier_id(%barrier3A_8)
    "tpu.region"() ({
      %run_scoped3A = tpu.sem_alloc : memref<!tpu.dma_semaphore, #tpu.memory_space<semaphore_mem>>
      %dma_start3A = arith.constant 0 : i32
      %dma_start3A_9 = arith.constant 0 : i32
      %dma_start3A_10 = tpu.memref_slice %arg6[%arg0, %dma_start3A, %dma_start3A_9] : memref<2x10240x128xf32, #tpu.memory_space<hbm>> -> memref<1x10240x128xf32, #tpu.memory_space<hbm>>
      %dma_start3A_11 = tpu.memref_squeeze %dma_start3A_10 : memref<1x10240x128xf32, #tpu.memory_space<hbm>> -> memref<10240x128xf32, #tpu.memory_space<hbm>>
      %dma_start3A_12 = arith.constant 0 : i32
      %dma_start3A_13 = tpu.memref_slice %dma_start3A_11[%mul3A_0, %dma_start3A_12] : memref<10240x128xf32, #tpu.memory_space<hbm>> -> memref<640x128xf32, #tpu.memory_space<hbm>>
      %dma_start3A_14 = arith.constant 0 : i32
      %dma_start3A_15 = tpu.memref_slice %arg7[%mul3A_0, %dma_start3A_14] : memref<10240x128xf32, #tpu.memory_space<vmem_shared>> -> memref<640x128xf32, #tpu.memory_space<vmem_shared>>
      tpu.enqueue_dma source(%dma_start3A_15 : memref<640x128xf32, #tpu.memory_space<vmem_shared>>) target(%dma_start3A_13 : memref<640x128xf32, #tpu.memory_space<hbm>>) target_semaphore(%run_scoped3A : memref<!tpu.dma_semaphore, #tpu.memory_space<semaphore_mem>>)
      %dma_wait3A = arith.constant 0 : i32
      %dma_wait3A_16 = arith.constant 0 : i32
      %dma_wait3A_17 = tpu.memref_slice %arg6[%arg0, %dma_wait3A, %dma_wait3A_16] : memref<2x10240x128xf32, #tpu.memory_space<hbm>> -> memref<1x10240x128xf32, #tpu.memory_space<hbm>>
      %dma_wait3A_18 = tpu.memref_squeeze %dma_wait3A_17 : memref<1x10240x128xf32, #tpu.memory_space<hbm>> -> memref<10240x128xf32, #tpu.memory_space<hbm>>
      %dma_wait3A_19 = arith.constant 0 : i32
      %dma_wait3A_20 = tpu.memref_slice %dma_wait3A_18[%mul3A_0, %dma_wait3A_19] : memref<10240x128xf32, #tpu.memory_space<hbm>> -> memref<640x128xf32, #tpu.memory_space<hbm>>
      %dma_wait3A_21 = arith.constant 0 : i32
      %dma_wait3A_22 = tpu.memref_slice %arg7[%mul3A_0, %dma_wait3A_21] : memref<10240x128xf32, #tpu.memory_space<vmem_shared>> -> memref<640x128xf32, #tpu.memory_space<vmem_shared>>
      tpu.wait_dma2 semaphore(%run_scoped3A : memref<!tpu.dma_semaphore, #tpu.memory_space<semaphore_mem>>) src(%dma_wait3A_22 : memref<640x128xf32, #tpu.memory_space<vmem_shared>>) dst(%dma_wait3A_20 : memref<640x128xf32, #tpu.memory_space<hbm>>)
      tpu.yield
    }) : () -> ()
    return
  }
}

#map = affine_map<(d0, d1) -> (0, 0)>
module attributes {stable_mosaic.version = 14 : i64} {
  func.func @gk(%arg0: i32, %arg1: i32, %arg2: memref<10000x128xi32, #tpu.memory_space<hbm>>, %arg3: memref<2560x64xi32, #tpu.memory_space<hbm>>, %arg4: memref<163840x128xi32, #tpu.memory_space<hbm>>, %arg5: memref<80x64xi32, #tpu.memory_space<vmem>>, %arg6: memref<64x128xi32, #tpu.memory_space<vmem>>, %arg7: memref<64x128xi32, #tpu.memory_space<vmem>>, %arg8: memref<64x128xi32, #tpu.memory_space<vmem>>, %arg9: memref<64x128xi32, #tpu.memory_space<vmem>>, %arg10: memref<!tpu.dma_semaphore, #tpu.memory_space<semaphore_mem>>, %arg11: memref<!tpu.dma_semaphore, #tpu.memory_space<semaphore_mem>>, %arg12: memref<!tpu.dma_semaphore, #tpu.memory_space<semaphore_mem>>, %arg13: memref<!tpu.dma_semaphore, #tpu.memory_space<semaphore_mem>>) attributes {dimension_semantics = [#tpu.dimension_semantics<core_parallel>, #tpu.dimension_semantics<subcore_parallel>], iteration_bounds = array<i64: 2, 16>, scalar_prefetch = 0 : i64, scratch_operands = 9 : i64, tpu.core_type = #tpu.core_type<sc_vector_subcore>, window_params = [{transform_indices = #map}, {transform_indices = #map}, {transform_indices = #map}]} {
    %mul3A = arith.constant 160 : i32
    %mul3A_0 = arith.muli %arg1, %mul3A : i32
    %mul3A_1 = arith.constant 80 : i32
    %mul3A_2 = arith.muli %arg0, %mul3A_1 : i32
    %add3A = arith.addi %mul3A_0, %mul3A_2 : i32
    %mul3A_3 = arith.constant 0 : i32
    %mul3A_4 = arith.muli %arg0, %mul3A_3 : i32
    %add3A_5 = arith.constant 80 : i32
    %add3A_6 = arith.addi %add3A_5, %mul3A_4 : i32
    %min3A = arith.constant 2480 : i32
    %min3A_7 = arith.minsi %add3A, %min3A : i32
    "tpu.region"() ({
      %run_scoped3A = tpu.sem_alloc : memref<!tpu.dma_semaphore, #tpu.memory_space<semaphore_mem>>
      %dma_start3A = arith.constant 0 : i32
      %dma_start3A_33 = tpu.memref_slice %arg3[%min3A_7, %dma_start3A] : memref<2560x64xi32, #tpu.memory_space<hbm>> -> memref<80x64xi32, #tpu.memory_space<hbm>>
      %dma_start3A_34 = arith.constant 0 : i32
      %dma_start3A_35 = tpu.memref_slice %arg3[%min3A_7, %dma_start3A_34] : memref<2560x64xi32, #tpu.memory_space<hbm>> -> memref<80x64xi32, #tpu.memory_space<hbm>>
      tpu.enqueue_dma source(%dma_start3A_35 : memref<80x64xi32, #tpu.memory_space<hbm>>) target(%arg5 : memref<80x64xi32, #tpu.memory_space<vmem>>) target_semaphore(%run_scoped3A : memref<!tpu.dma_semaphore, #tpu.memory_space<semaphore_mem>>)
      %dma_wait3A = arith.constant 0 : i32
      %dma_wait3A_36 = tpu.memref_slice %arg3[%min3A_7, %dma_wait3A] : memref<2560x64xi32, #tpu.memory_space<hbm>> -> memref<80x64xi32, #tpu.memory_space<hbm>>
      %dma_wait3A_37 = arith.constant 0 : i32
      %dma_wait3A_38 = tpu.memref_slice %arg3[%min3A_7, %dma_wait3A_37] : memref<2560x64xi32, #tpu.memory_space<hbm>> -> memref<80x64xi32, #tpu.memory_space<hbm>>
      tpu.wait_dma2 semaphore(%run_scoped3A : memref<!tpu.dma_semaphore, #tpu.memory_space<semaphore_mem>>) src(%dma_wait3A_38 : memref<80x64xi32, #tpu.memory_space<hbm>>) dst(%arg5 : memref<80x64xi32, #tpu.memory_space<vmem>>)
      tpu.yield
    }) : () -> ()
    %jit3A = arith.constant 4 : i32
    %div3A = arith.divsi %add3A_6, %jit3A : i32
    %sign3A = arith.constant 0 : i32
    %sign3A_8 = arith.cmpi sgt, %add3A_6, %sign3A : i32
    %sign3A_9 = arith.extui %sign3A_8 : i1 to i32
    %sign3A_10 = arith.constant 0 : i32
    %sign3A_11 = arith.cmpi slt, %add3A_6, %sign3A_10 : i32
    %sign3A_12 = arith.extui %sign3A_11 : i1 to i32
    %sign3A_13 = arith.subi %sign3A_9, %sign3A_12 : i32
    %sign3A_14 = arith.constant 0 : i32
    %sign3A_15 = arith.cmpi sgt, %jit3A, %sign3A_14 : i32
    %sign3A_16 = arith.extui %sign3A_15 : i1 to i32
    %sign3A_17 = arith.constant 0 : i32
    %sign3A_18 = arith.cmpi slt, %jit3A, %sign3A_17 : i32
    %sign3A_19 = arith.extui %sign3A_18 : i1 to i32
    %sign3A_20 = arith.subi %sign3A_16, %sign3A_19 : i32
    %ne3A = arith.cmpi ne, %sign3A_13, %sign3A_20 : i32
    %rem3A = arith.remsi %add3A_6, %jit3A : i32
    %ne3A_21 = arith.constant 0 : i32
    %ne3A_22 = arith.cmpi ne, %rem3A, %ne3A_21 : i32
    %and3A = arith.andi %ne3A, %ne3A_22 : i1
    %sub3A = arith.constant 1 : i32
    %sub3A_23 = arith.subi %div3A, %sub3A : i32
    %select_n3A = arith.select %and3A, %sub3A_23, %div3A : i32
    %while3A = arith.constant 0 : i32
    %while3A_24 = arith.constant 0 : i32
    %while3A_25 = arith.subi %select_n3A, %while3A_24 : i32
    %while3A_26 = arith.addi %while3A_24, %while3A_25 : i32
    %while3A_27 = arith.constant 1 : i32
    %while3A_28 = arith.divsi %while3A_25, %while3A_27 : i32
    %while3A_29 = arith.muli %while3A_28, %while3A_27 : i32
    %while3A_30 = arith.addi %while3A_24, %while3A_29 : i32
    %while3A_31 = arith.constant 1 : i32
    scf.for %while3A_33 = %while3A_24 to %while3A_30 step %while3A_31  : i32 {
      %mul3A_34 = arith.constant 4 : i32
      %mul3A_35 = arith.muli %mul3A_34, %while3A_33 : i32
      %add3A_36 = arith.constant 0 : i32
      %add3A_37 = arith.addi %mul3A_35, %add3A_36 : i32
      %dma_start3A = arith.constant 0 : i32
      %dma_start3A_38 = tpu.memref_slice %arg5[%add3A_37, %dma_start3A] : memref<80x64xi32, #tpu.memory_space<vmem>> -> memref<1x64xi32, #tpu.memory_space<vmem>>
      %dma_start3A_39 = tpu.memref_squeeze %dma_start3A_38 : memref<1x64xi32, #tpu.memory_space<vmem>> -> memref<64xi32, #tpu.memory_space<vmem>>
      %dma_start3A_40 = arith.constant 0 : i32
      %dma_start3A_41 = arith.constant 0 : i32
      %dma_start3A_42 = tpu.memref_slice %arg2[%dma_start3A_40, %dma_start3A_41] : memref<10000x128xi32, #tpu.memory_space<hbm>> -> memref<10000x128xi32, #tpu.memory_space<hbm>>
      tpu.enqueue_indirect_dma source(%dma_start3A_42 : memref<10000x128xi32, #tpu.memory_space<hbm>>) target(%arg6 : memref<64x128xi32, #tpu.memory_space<vmem>>) offsets(%dma_start3A_39 : memref<64xi32, #tpu.memory_space<vmem>>) semaphore(%arg10 : memref<!tpu.dma_semaphore, #tpu.memory_space<semaphore_mem>>)
      %add3A_43 = arith.constant 1 : i32
      %add3A_44 = arith.addi %mul3A_35, %add3A_43 : i32
      %dma_start3A_45 = arith.constant 0 : i32
      %dma_start3A_46 = tpu.memref_slice %arg5[%add3A_44, %dma_start3A_45] : memref<80x64xi32, #tpu.memory_space<vmem>> -> memref<1x64xi32, #tpu.memory_space<vmem>>
      %dma_start3A_47 = tpu.memref_squeeze %dma_start3A_46 : memref<1x64xi32, #tpu.memory_space<vmem>> -> memref<64xi32, #tpu.memory_space<vmem>>
      %dma_start3A_48 = arith.constant 0 : i32
      %dma_start3A_49 = arith.constant 0 : i32
      %dma_start3A_50 = tpu.memref_slice %arg2[%dma_start3A_48, %dma_start3A_49] : memref<10000x128xi32, #tpu.memory_space<hbm>> -> memref<10000x128xi32, #tpu.memory_space<hbm>>
      tpu.enqueue_indirect_dma source(%dma_start3A_50 : memref<10000x128xi32, #tpu.memory_space<hbm>>) target(%arg7 : memref<64x128xi32, #tpu.memory_space<vmem>>) offsets(%dma_start3A_47 : memref<64xi32, #tpu.memory_space<vmem>>) semaphore(%arg11 : memref<!tpu.dma_semaphore, #tpu.memory_space<semaphore_mem>>)
      %add3A_51 = arith.constant 2 : i32
      %add3A_52 = arith.addi %mul3A_35, %add3A_51 : i32
      %dma_start3A_53 = arith.constant 0 : i32
      %dma_start3A_54 = tpu.memref_slice %arg5[%add3A_52, %dma_start3A_53] : memref<80x64xi32, #tpu.memory_space<vmem>> -> memref<1x64xi32, #tpu.memory_space<vmem>>
      %dma_start3A_55 = tpu.memref_squeeze %dma_start3A_54 : memref<1x64xi32, #tpu.memory_space<vmem>> -> memref<64xi32, #tpu.memory_space<vmem>>
      %dma_start3A_56 = arith.constant 0 : i32
      %dma_start3A_57 = arith.constant 0 : i32
      %dma_start3A_58 = tpu.memref_slice %arg2[%dma_start3A_56, %dma_start3A_57] : memref<10000x128xi32, #tpu.memory_space<hbm>> -> memref<10000x128xi32, #tpu.memory_space<hbm>>
      tpu.enqueue_indirect_dma source(%dma_start3A_58 : memref<10000x128xi32, #tpu.memory_space<hbm>>) target(%arg8 : memref<64x128xi32, #tpu.memory_space<vmem>>) offsets(%dma_start3A_55 : memref<64xi32, #tpu.memory_space<vmem>>) semaphore(%arg12 : memref<!tpu.dma_semaphore, #tpu.memory_space<semaphore_mem>>)
      %add3A_59 = arith.constant 3 : i32
      %add3A_60 = arith.addi %mul3A_35, %add3A_59 : i32
      %dma_start3A_61 = arith.constant 0 : i32
      %dma_start3A_62 = tpu.memref_slice %arg5[%add3A_60, %dma_start3A_61] : memref<80x64xi32, #tpu.memory_space<vmem>> -> memref<1x64xi32, #tpu.memory_space<vmem>>
      %dma_start3A_63 = tpu.memref_squeeze %dma_start3A_62 : memref<1x64xi32, #tpu.memory_space<vmem>> -> memref<64xi32, #tpu.memory_space<vmem>>
      %dma_start3A_64 = arith.constant 0 : i32
      %dma_start3A_65 = arith.constant 0 : i32
      %dma_start3A_66 = tpu.memref_slice %arg2[%dma_start3A_64, %dma_start3A_65] : memref<10000x128xi32, #tpu.memory_space<hbm>> -> memref<10000x128xi32, #tpu.memory_space<hbm>>
      tpu.enqueue_indirect_dma source(%dma_start3A_66 : memref<10000x128xi32, #tpu.memory_space<hbm>>) target(%arg9 : memref<64x128xi32, #tpu.memory_space<vmem>>) offsets(%dma_start3A_63 : memref<64xi32, #tpu.memory_space<vmem>>) semaphore(%arg13 : memref<!tpu.dma_semaphore, #tpu.memory_space<semaphore_mem>>)
      %dma_wait3A = arith.constant 0 : i32
      %dma_wait3A_67 = tpu.memref_slice %arg5[%add3A_37, %dma_wait3A] : memref<80x64xi32, #tpu.memory_space<vmem>> -> memref<1x64xi32, #tpu.memory_space<vmem>>
      %dma_wait3A_68 = tpu.memref_squeeze %dma_wait3A_67 : memref<1x64xi32, #tpu.memory_space<vmem>> -> memref<64xi32, #tpu.memory_space<vmem>>
      %dma_wait3A_69 = arith.constant 0 : i32
      %dma_wait3A_70 = arith.constant 0 : i32
      %dma_wait3A_71 = tpu.memref_slice %arg2[%dma_wait3A_69, %dma_wait3A_70] : memref<10000x128xi32, #tpu.memory_space<hbm>> -> memref<10000x128xi32, #tpu.memory_space<hbm>>
      tpu.wait_indirect_dma semaphore(%arg10 : memref<!tpu.dma_semaphore, #tpu.memory_space<semaphore_mem>>) src(%dma_wait3A_71 : memref<10000x128xi32, #tpu.memory_space<hbm>>) dst(%arg6 : memref<64x128xi32, #tpu.memory_space<vmem>>)
      %add3A_72 = arith.addi %add3A, %mul3A_35 : i32
      %add3A_73 = arith.constant 0 : i32
      %add3A_74 = arith.addi %add3A_72, %add3A_73 : i32
      %mul3A_75 = arith.constant 64 : i32
      %mul3A_76 = arith.muli %add3A_74, %mul3A_75 : i32
      "tpu.region"() ({
        %run_scoped3A = tpu.sem_alloc : memref<!tpu.dma_semaphore, #tpu.memory_space<semaphore_mem>>
        %dma_start3A_110 = arith.constant 0 : i32
        %dma_start3A_111 = tpu.memref_slice %arg4[%mul3A_76, %dma_start3A_110] : memref<163840x128xi32, #tpu.memory_space<hbm>> -> memref<64x128xi32, #tpu.memory_space<hbm>>
        %dma_start3A_112 = arith.constant 0 : i32
        %dma_start3A_113 = tpu.memref_slice %arg4[%mul3A_76, %dma_start3A_112] : memref<163840x128xi32, #tpu.memory_space<hbm>> -> memref<64x128xi32, #tpu.memory_space<hbm>>
        tpu.enqueue_dma source(%arg6 : memref<64x128xi32, #tpu.memory_space<vmem>>) target(%dma_start3A_113 : memref<64x128xi32, #tpu.memory_space<hbm>>) target_semaphore(%run_scoped3A : memref<!tpu.dma_semaphore, #tpu.memory_space<semaphore_mem>>)
        %dma_wait3A_114 = arith.constant 0 : i32
        %dma_wait3A_115 = tpu.memref_slice %arg4[%mul3A_76, %dma_wait3A_114] : memref<163840x128xi32, #tpu.memory_space<hbm>> -> memref<64x128xi32, #tpu.memory_space<hbm>>
        %dma_wait3A_116 = arith.constant 0 : i32
        %dma_wait3A_117 = tpu.memref_slice %arg4[%mul3A_76, %dma_wait3A_116] : memref<163840x128xi32, #tpu.memory_space<hbm>> -> memref<64x128xi32, #tpu.memory_space<hbm>>
        tpu.wait_dma2 semaphore(%run_scoped3A : memref<!tpu.dma_semaphore, #tpu.memory_space<semaphore_mem>>) src(%arg6 : memref<64x128xi32, #tpu.memory_space<vmem>>) dst(%dma_wait3A_117 : memref<64x128xi32, #tpu.memory_space<hbm>>)
        tpu.yield
      }) : () -> ()
      %dma_wait3A_77 = arith.constant 0 : i32
      %dma_wait3A_78 = tpu.memref_slice %arg5[%add3A_44, %dma_wait3A_77] : memref<80x64xi32, #tpu.memory_space<vmem>> -> memref<1x64xi32, #tpu.memory_space<vmem>>
      %dma_wait3A_79 = tpu.memref_squeeze %dma_wait3A_78 : memref<1x64xi32, #tpu.memory_space<vmem>> -> memref<64xi32, #tpu.memory_space<vmem>>
      %dma_wait3A_80 = arith.constant 0 : i32
      %dma_wait3A_81 = arith.constant 0 : i32
      %dma_wait3A_82 = tpu.memref_slice %arg2[%dma_wait3A_80, %dma_wait3A_81] : memref<10000x128xi32, #tpu.memory_space<hbm>> -> memref<10000x128xi32, #tpu.memory_space<hbm>>
      tpu.wait_indirect_dma semaphore(%arg11 : memref<!tpu.dma_semaphore, #tpu.memory_space<semaphore_mem>>) src(%dma_wait3A_82 : memref<10000x128xi32, #tpu.memory_space<hbm>>) dst(%arg7 : memref<64x128xi32, #tpu.memory_space<vmem>>)
      %add3A_83 = arith.addi %add3A, %mul3A_35 : i32
      %add3A_84 = arith.constant 1 : i32
      %add3A_85 = arith.addi %add3A_83, %add3A_84 : i32
      %mul3A_86 = arith.constant 64 : i32
      %mul3A_87 = arith.muli %add3A_85, %mul3A_86 : i32
      "tpu.region"() ({
        %run_scoped3A = tpu.sem_alloc : memref<!tpu.dma_semaphore, #tpu.memory_space<semaphore_mem>>
        %dma_start3A_110 = arith.constant 0 : i32
        %dma_start3A_111 = tpu.memref_slice %arg4[%mul3A_87, %dma_start3A_110] : memref<163840x128xi32, #tpu.memory_space<hbm>> -> memref<64x128xi32, #tpu.memory_space<hbm>>
        %dma_start3A_112 = arith.constant 0 : i32
        %dma_start3A_113 = tpu.memref_slice %arg4[%mul3A_87, %dma_start3A_112] : memref<163840x128xi32, #tpu.memory_space<hbm>> -> memref<64x128xi32, #tpu.memory_space<hbm>>
        tpu.enqueue_dma source(%arg7 : memref<64x128xi32, #tpu.memory_space<vmem>>) target(%dma_start3A_113 : memref<64x128xi32, #tpu.memory_space<hbm>>) target_semaphore(%run_scoped3A : memref<!tpu.dma_semaphore, #tpu.memory_space<semaphore_mem>>)
        %dma_wait3A_114 = arith.constant 0 : i32
        %dma_wait3A_115 = tpu.memref_slice %arg4[%mul3A_87, %dma_wait3A_114] : memref<163840x128xi32, #tpu.memory_space<hbm>> -> memref<64x128xi32, #tpu.memory_space<hbm>>
        %dma_wait3A_116 = arith.constant 0 : i32
        %dma_wait3A_117 = tpu.memref_slice %arg4[%mul3A_87, %dma_wait3A_116] : memref<163840x128xi32, #tpu.memory_space<hbm>> -> memref<64x128xi32, #tpu.memory_space<hbm>>
        tpu.wait_dma2 semaphore(%run_scoped3A : memref<!tpu.dma_semaphore, #tpu.memory_space<semaphore_mem>>) src(%arg7 : memref<64x128xi32, #tpu.memory_space<vmem>>) dst(%dma_wait3A_117 : memref<64x128xi32, #tpu.memory_space<hbm>>)
        tpu.yield
      }) : () -> ()
      %dma_wait3A_88 = arith.constant 0 : i32
      %dma_wait3A_89 = tpu.memref_slice %arg5[%add3A_52, %dma_wait3A_88] : memref<80x64xi32, #tpu.memory_space<vmem>> -> memref<1x64xi32, #tpu.memory_space<vmem>>
      %dma_wait3A_90 = tpu.memref_squeeze %dma_wait3A_89 : memref<1x64xi32, #tpu.memory_space<vmem>> -> memref<64xi32, #tpu.memory_space<vmem>>
      %dma_wait3A_91 = arith.constant 0 : i32
      %dma_wait3A_92 = arith.constant 0 : i32
      %dma_wait3A_93 = tpu.memref_slice %arg2[%dma_wait3A_91, %dma_wait3A_92] : memref<10000x128xi32, #tpu.memory_space<hbm>> -> memref<10000x128xi32, #tpu.memory_space<hbm>>
      tpu.wait_indirect_dma semaphore(%arg12 : memref<!tpu.dma_semaphore, #tpu.memory_space<semaphore_mem>>) src(%dma_wait3A_93 : memref<10000x128xi32, #tpu.memory_space<hbm>>) dst(%arg8 : memref<64x128xi32, #tpu.memory_space<vmem>>)
      %add3A_94 = arith.addi %add3A, %mul3A_35 : i32
      %add3A_95 = arith.constant 2 : i32
      %add3A_96 = arith.addi %add3A_94, %add3A_95 : i32
      %mul3A_97 = arith.constant 64 : i32
      %mul3A_98 = arith.muli %add3A_96, %mul3A_97 : i32
      "tpu.region"() ({
        %run_scoped3A = tpu.sem_alloc : memref<!tpu.dma_semaphore, #tpu.memory_space<semaphore_mem>>
        %dma_start3A_110 = arith.constant 0 : i32
        %dma_start3A_111 = tpu.memref_slice %arg4[%mul3A_98, %dma_start3A_110] : memref<163840x128xi32, #tpu.memory_space<hbm>> -> memref<64x128xi32, #tpu.memory_space<hbm>>
        %dma_start3A_112 = arith.constant 0 : i32
        %dma_start3A_113 = tpu.memref_slice %arg4[%mul3A_98, %dma_start3A_112] : memref<163840x128xi32, #tpu.memory_space<hbm>> -> memref<64x128xi32, #tpu.memory_space<hbm>>
        tpu.enqueue_dma source(%arg8 : memref<64x128xi32, #tpu.memory_space<vmem>>) target(%dma_start3A_113 : memref<64x128xi32, #tpu.memory_space<hbm>>) target_semaphore(%run_scoped3A : memref<!tpu.dma_semaphore, #tpu.memory_space<semaphore_mem>>)
        %dma_wait3A_114 = arith.constant 0 : i32
        %dma_wait3A_115 = tpu.memref_slice %arg4[%mul3A_98, %dma_wait3A_114] : memref<163840x128xi32, #tpu.memory_space<hbm>> -> memref<64x128xi32, #tpu.memory_space<hbm>>
        %dma_wait3A_116 = arith.constant 0 : i32
        %dma_wait3A_117 = tpu.memref_slice %arg4[%mul3A_98, %dma_wait3A_116] : memref<163840x128xi32, #tpu.memory_space<hbm>> -> memref<64x128xi32, #tpu.memory_space<hbm>>
        tpu.wait_dma2 semaphore(%run_scoped3A : memref<!tpu.dma_semaphore, #tpu.memory_space<semaphore_mem>>) src(%arg8 : memref<64x128xi32, #tpu.memory_space<vmem>>) dst(%dma_wait3A_117 : memref<64x128xi32, #tpu.memory_space<hbm>>)
        tpu.yield
      }) : () -> ()
      %dma_wait3A_99 = arith.constant 0 : i32
      %dma_wait3A_100 = tpu.memref_slice %arg5[%add3A_60, %dma_wait3A_99] : memref<80x64xi32, #tpu.memory_space<vmem>> -> memref<1x64xi32, #tpu.memory_space<vmem>>
      %dma_wait3A_101 = tpu.memref_squeeze %dma_wait3A_100 : memref<1x64xi32, #tpu.memory_space<vmem>> -> memref<64xi32, #tpu.memory_space<vmem>>
      %dma_wait3A_102 = arith.constant 0 : i32
      %dma_wait3A_103 = arith.constant 0 : i32
      %dma_wait3A_104 = tpu.memref_slice %arg2[%dma_wait3A_102, %dma_wait3A_103] : memref<10000x128xi32, #tpu.memory_space<hbm>> -> memref<10000x128xi32, #tpu.memory_space<hbm>>
      tpu.wait_indirect_dma semaphore(%arg13 : memref<!tpu.dma_semaphore, #tpu.memory_space<semaphore_mem>>) src(%dma_wait3A_104 : memref<10000x128xi32, #tpu.memory_space<hbm>>) dst(%arg9 : memref<64x128xi32, #tpu.memory_space<vmem>>)
      %add3A_105 = arith.addi %add3A, %mul3A_35 : i32
      %add3A_106 = arith.constant 3 : i32
      %add3A_107 = arith.addi %add3A_105, %add3A_106 : i32
      %mul3A_108 = arith.constant 64 : i32
      %mul3A_109 = arith.muli %add3A_107, %mul3A_108 : i32
      "tpu.region"() ({
        %run_scoped3A = tpu.sem_alloc : memref<!tpu.dma_semaphore, #tpu.memory_space<semaphore_mem>>
        %dma_start3A_110 = arith.constant 0 : i32
        %dma_start3A_111 = tpu.memref_slice %arg4[%mul3A_109, %dma_start3A_110] : memref<163840x128xi32, #tpu.memory_space<hbm>> -> memref<64x128xi32, #tpu.memory_space<hbm>>
        %dma_start3A_112 = arith.constant 0 : i32
        %dma_start3A_113 = tpu.memref_slice %arg4[%mul3A_109, %dma_start3A_112] : memref<163840x128xi32, #tpu.memory_space<hbm>> -> memref<64x128xi32, #tpu.memory_space<hbm>>
        tpu.enqueue_dma source(%arg9 : memref<64x128xi32, #tpu.memory_space<vmem>>) target(%dma_start3A_113 : memref<64x128xi32, #tpu.memory_space<hbm>>) target_semaphore(%run_scoped3A : memref<!tpu.dma_semaphore, #tpu.memory_space<semaphore_mem>>)
        %dma_wait3A_114 = arith.constant 0 : i32
        %dma_wait3A_115 = tpu.memref_slice %arg4[%mul3A_109, %dma_wait3A_114] : memref<163840x128xi32, #tpu.memory_space<hbm>> -> memref<64x128xi32, #tpu.memory_space<hbm>>
        %dma_wait3A_116 = arith.constant 0 : i32
        %dma_wait3A_117 = tpu.memref_slice %arg4[%mul3A_109, %dma_wait3A_116] : memref<163840x128xi32, #tpu.memory_space<hbm>> -> memref<64x128xi32, #tpu.memory_space<hbm>>
        tpu.wait_dma2 semaphore(%run_scoped3A : memref<!tpu.dma_semaphore, #tpu.memory_space<semaphore_mem>>) src(%arg9 : memref<64x128xi32, #tpu.memory_space<vmem>>) dst(%dma_wait3A_117 : memref<64x128xi32, #tpu.memory_space<hbm>>)
        tpu.yield
      }) : () -> ()
    }
    %while3A_32 = arith.constant 1 : i32
    scf.for %while3A_33 = %while3A_30 to %while3A_26 step %while3A_32  : i32 {
      %mul3A_34 = arith.constant 4 : i32
      %mul3A_35 = arith.muli %mul3A_34, %while3A_33 : i32
      %add3A_36 = arith.constant 0 : i32
      %add3A_37 = arith.addi %mul3A_35, %add3A_36 : i32
      %dma_start3A = arith.constant 0 : i32
      %dma_start3A_38 = tpu.memref_slice %arg5[%add3A_37, %dma_start3A] : memref<80x64xi32, #tpu.memory_space<vmem>> -> memref<1x64xi32, #tpu.memory_space<vmem>>
      %dma_start3A_39 = tpu.memref_squeeze %dma_start3A_38 : memref<1x64xi32, #tpu.memory_space<vmem>> -> memref<64xi32, #tpu.memory_space<vmem>>
      %dma_start3A_40 = arith.constant 0 : i32
      %dma_start3A_41 = arith.constant 0 : i32
      %dma_start3A_42 = tpu.memref_slice %arg2[%dma_start3A_40, %dma_start3A_41] : memref<10000x128xi32, #tpu.memory_space<hbm>> -> memref<10000x128xi32, #tpu.memory_space<hbm>>
      tpu.enqueue_indirect_dma source(%dma_start3A_42 : memref<10000x128xi32, #tpu.memory_space<hbm>>) target(%arg6 : memref<64x128xi32, #tpu.memory_space<vmem>>) offsets(%dma_start3A_39 : memref<64xi32, #tpu.memory_space<vmem>>) semaphore(%arg10 : memref<!tpu.dma_semaphore, #tpu.memory_space<semaphore_mem>>)
      %add3A_43 = arith.constant 1 : i32
      %add3A_44 = arith.addi %mul3A_35, %add3A_43 : i32
      %dma_start3A_45 = arith.constant 0 : i32
      %dma_start3A_46 = tpu.memref_slice %arg5[%add3A_44, %dma_start3A_45] : memref<80x64xi32, #tpu.memory_space<vmem>> -> memref<1x64xi32, #tpu.memory_space<vmem>>
      %dma_start3A_47 = tpu.memref_squeeze %dma_start3A_46 : memref<1x64xi32, #tpu.memory_space<vmem>> -> memref<64xi32, #tpu.memory_space<vmem>>
      %dma_start3A_48 = arith.constant 0 : i32
      %dma_start3A_49 = arith.constant 0 : i32
      %dma_start3A_50 = tpu.memref_slice %arg2[%dma_start3A_48, %dma_start3A_49] : memref<10000x128xi32, #tpu.memory_space<hbm>> -> memref<10000x128xi32, #tpu.memory_space<hbm>>
      tpu.enqueue_indirect_dma source(%dma_start3A_50 : memref<10000x128xi32, #tpu.memory_space<hbm>>) target(%arg7 : memref<64x128xi32, #tpu.memory_space<vmem>>) offsets(%dma_start3A_47 : memref<64xi32, #tpu.memory_space<vmem>>) semaphore(%arg11 : memref<!tpu.dma_semaphore, #tpu.memory_space<semaphore_mem>>)
      %add3A_51 = arith.constant 2 : i32
      %add3A_52 = arith.addi %mul3A_35, %add3A_51 : i32
      %dma_start3A_53 = arith.constant 0 : i32
      %dma_start3A_54 = tpu.memref_slice %arg5[%add3A_52, %dma_start3A_53] : memref<80x64xi32, #tpu.memory_space<vmem>> -> memref<1x64xi32, #tpu.memory_space<vmem>>
      %dma_start3A_55 = tpu.memref_squeeze %dma_start3A_54 : memref<1x64xi32, #tpu.memory_space<vmem>> -> memref<64xi32, #tpu.memory_space<vmem>>
      %dma_start3A_56 = arith.constant 0 : i32
      %dma_start3A_57 = arith.constant 0 : i32
      %dma_start3A_58 = tpu.memref_slice %arg2[%dma_start3A_56, %dma_start3A_57] : memref<10000x128xi32, #tpu.memory_space<hbm>> -> memref<10000x128xi32, #tpu.memory_space<hbm>>
      tpu.enqueue_indirect_dma source(%dma_start3A_58 : memref<10000x128xi32, #tpu.memory_space<hbm>>) target(%arg8 : memref<64x128xi32, #tpu.memory_space<vmem>>) offsets(%dma_start3A_55 : memref<64xi32, #tpu.memory_space<vmem>>) semaphore(%arg12 : memref<!tpu.dma_semaphore, #tpu.memory_space<semaphore_mem>>)
      %add3A_59 = arith.constant 3 : i32
      %add3A_60 = arith.addi %mul3A_35, %add3A_59 : i32
      %dma_start3A_61 = arith.constant 0 : i32
      %dma_start3A_62 = tpu.memref_slice %arg5[%add3A_60, %dma_start3A_61] : memref<80x64xi32, #tpu.memory_space<vmem>> -> memref<1x64xi32, #tpu.memory_space<vmem>>
      %dma_start3A_63 = tpu.memref_squeeze %dma_start3A_62 : memref<1x64xi32, #tpu.memory_space<vmem>> -> memref<64xi32, #tpu.memory_space<vmem>>
      %dma_start3A_64 = arith.constant 0 : i32
      %dma_start3A_65 = arith.constant 0 : i32
      %dma_start3A_66 = tpu.memref_slice %arg2[%dma_start3A_64, %dma_start3A_65] : memref<10000x128xi32, #tpu.memory_space<hbm>> -> memref<10000x128xi32, #tpu.memory_space<hbm>>
      tpu.enqueue_indirect_dma source(%dma_start3A_66 : memref<10000x128xi32, #tpu.memory_space<hbm>>) target(%arg9 : memref<64x128xi32, #tpu.memory_space<vmem>>) offsets(%dma_start3A_63 : memref<64xi32, #tpu.memory_space<vmem>>) semaphore(%arg13 : memref<!tpu.dma_semaphore, #tpu.memory_space<semaphore_mem>>)
      %dma_wait3A = arith.constant 0 : i32
      %dma_wait3A_67 = tpu.memref_slice %arg5[%add3A_37, %dma_wait3A] : memref<80x64xi32, #tpu.memory_space<vmem>> -> memref<1x64xi32, #tpu.memory_space<vmem>>
      %dma_wait3A_68 = tpu.memref_squeeze %dma_wait3A_67 : memref<1x64xi32, #tpu.memory_space<vmem>> -> memref<64xi32, #tpu.memory_space<vmem>>
      %dma_wait3A_69 = arith.constant 0 : i32
      %dma_wait3A_70 = arith.constant 0 : i32
      %dma_wait3A_71 = tpu.memref_slice %arg2[%dma_wait3A_69, %dma_wait3A_70] : memref<10000x128xi32, #tpu.memory_space<hbm>> -> memref<10000x128xi32, #tpu.memory_space<hbm>>
      tpu.wait_indirect_dma semaphore(%arg10 : memref<!tpu.dma_semaphore, #tpu.memory_space<semaphore_mem>>) src(%dma_wait3A_71 : memref<10000x128xi32, #tpu.memory_space<hbm>>) dst(%arg6 : memref<64x128xi32, #tpu.memory_space<vmem>>)
      %add3A_72 = arith.addi %add3A, %mul3A_35 : i32
      %add3A_73 = arith.constant 0 : i32
      %add3A_74 = arith.addi %add3A_72, %add3A_73 : i32
      %mul3A_75 = arith.constant 64 : i32
      %mul3A_76 = arith.muli %add3A_74, %mul3A_75 : i32
      "tpu.region"() ({
        %run_scoped3A = tpu.sem_alloc : memref<!tpu.dma_semaphore, #tpu.memory_space<semaphore_mem>>
        %dma_start3A_110 = arith.constant 0 : i32
        %dma_start3A_111 = tpu.memref_slice %arg4[%mul3A_76, %dma_start3A_110] : memref<163840x128xi32, #tpu.memory_space<hbm>> -> memref<64x128xi32, #tpu.memory_space<hbm>>
        %dma_start3A_112 = arith.constant 0 : i32
        %dma_start3A_113 = tpu.memref_slice %arg4[%mul3A_76, %dma_start3A_112] : memref<163840x128xi32, #tpu.memory_space<hbm>> -> memref<64x128xi32, #tpu.memory_space<hbm>>
        tpu.enqueue_dma source(%arg6 : memref<64x128xi32, #tpu.memory_space<vmem>>) target(%dma_start3A_113 : memref<64x128xi32, #tpu.memory_space<hbm>>) target_semaphore(%run_scoped3A : memref<!tpu.dma_semaphore, #tpu.memory_space<semaphore_mem>>)
        %dma_wait3A_114 = arith.constant 0 : i32
        %dma_wait3A_115 = tpu.memref_slice %arg4[%mul3A_76, %dma_wait3A_114] : memref<163840x128xi32, #tpu.memory_space<hbm>> -> memref<64x128xi32, #tpu.memory_space<hbm>>
        %dma_wait3A_116 = arith.constant 0 : i32
        %dma_wait3A_117 = tpu.memref_slice %arg4[%mul3A_76, %dma_wait3A_116] : memref<163840x128xi32, #tpu.memory_space<hbm>> -> memref<64x128xi32, #tpu.memory_space<hbm>>
        tpu.wait_dma2 semaphore(%run_scoped3A : memref<!tpu.dma_semaphore, #tpu.memory_space<semaphore_mem>>) src(%arg6 : memref<64x128xi32, #tpu.memory_space<vmem>>) dst(%dma_wait3A_117 : memref<64x128xi32, #tpu.memory_space<hbm>>)
        tpu.yield
      }) : () -> ()
      %dma_wait3A_77 = arith.constant 0 : i32
      %dma_wait3A_78 = tpu.memref_slice %arg5[%add3A_44, %dma_wait3A_77] : memref<80x64xi32, #tpu.memory_space<vmem>> -> memref<1x64xi32, #tpu.memory_space<vmem>>
      %dma_wait3A_79 = tpu.memref_squeeze %dma_wait3A_78 : memref<1x64xi32, #tpu.memory_space<vmem>> -> memref<64xi32, #tpu.memory_space<vmem>>
      %dma_wait3A_80 = arith.constant 0 : i32
      %dma_wait3A_81 = arith.constant 0 : i32
      %dma_wait3A_82 = tpu.memref_slice %arg2[%dma_wait3A_80, %dma_wait3A_81] : memref<10000x128xi32, #tpu.memory_space<hbm>> -> memref<10000x128xi32, #tpu.memory_space<hbm>>
      tpu.wait_indirect_dma semaphore(%arg11 : memref<!tpu.dma_semaphore, #tpu.memory_space<semaphore_mem>>) src(%dma_wait3A_82 : memref<10000x128xi32, #tpu.memory_space<hbm>>) dst(%arg7 : memref<64x128xi32, #tpu.memory_space<vmem>>)
      %add3A_83 = arith.addi %add3A, %mul3A_35 : i32
      %add3A_84 = arith.constant 1 : i32
      %add3A_85 = arith.addi %add3A_83, %add3A_84 : i32
      %mul3A_86 = arith.constant 64 : i32
      %mul3A_87 = arith.muli %add3A_85, %mul3A_86 : i32
      "tpu.region"() ({
        %run_scoped3A = tpu.sem_alloc : memref<!tpu.dma_semaphore, #tpu.memory_space<semaphore_mem>>
        %dma_start3A_110 = arith.constant 0 : i32
        %dma_start3A_111 = tpu.memref_slice %arg4[%mul3A_87, %dma_start3A_110] : memref<163840x128xi32, #tpu.memory_space<hbm>> -> memref<64x128xi32, #tpu.memory_space<hbm>>
        %dma_start3A_112 = arith.constant 0 : i32
        %dma_start3A_113 = tpu.memref_slice %arg4[%mul3A_87, %dma_start3A_112] : memref<163840x128xi32, #tpu.memory_space<hbm>> -> memref<64x128xi32, #tpu.memory_space<hbm>>
        tpu.enqueue_dma source(%arg7 : memref<64x128xi32, #tpu.memory_space<vmem>>) target(%dma_start3A_113 : memref<64x128xi32, #tpu.memory_space<hbm>>) target_semaphore(%run_scoped3A : memref<!tpu.dma_semaphore, #tpu.memory_space<semaphore_mem>>)
        %dma_wait3A_114 = arith.constant 0 : i32
        %dma_wait3A_115 = tpu.memref_slice %arg4[%mul3A_87, %dma_wait3A_114] : memref<163840x128xi32, #tpu.memory_space<hbm>> -> memref<64x128xi32, #tpu.memory_space<hbm>>
        %dma_wait3A_116 = arith.constant 0 : i32
        %dma_wait3A_117 = tpu.memref_slice %arg4[%mul3A_87, %dma_wait3A_116] : memref<163840x128xi32, #tpu.memory_space<hbm>> -> memref<64x128xi32, #tpu.memory_space<hbm>>
        tpu.wait_dma2 semaphore(%run_scoped3A : memref<!tpu.dma_semaphore, #tpu.memory_space<semaphore_mem>>) src(%arg7 : memref<64x128xi32, #tpu.memory_space<vmem>>) dst(%dma_wait3A_117 : memref<64x128xi32, #tpu.memory_space<hbm>>)
        tpu.yield
      }) : () -> ()
      %dma_wait3A_88 = arith.constant 0 : i32
      %dma_wait3A_89 = tpu.memref_slice %arg5[%add3A_52, %dma_wait3A_88] : memref<80x64xi32, #tpu.memory_space<vmem>> -> memref<1x64xi32, #tpu.memory_space<vmem>>
      %dma_wait3A_90 = tpu.memref_squeeze %dma_wait3A_89 : memref<1x64xi32, #tpu.memory_space<vmem>> -> memref<64xi32, #tpu.memory_space<vmem>>
      %dma_wait3A_91 = arith.constant 0 : i32
      %dma_wait3A_92 = arith.constant 0 : i32
      %dma_wait3A_93 = tpu.memref_slice %arg2[%dma_wait3A_91, %dma_wait3A_92] : memref<10000x128xi32, #tpu.memory_space<hbm>> -> memref<10000x128xi32, #tpu.memory_space<hbm>>
      tpu.wait_indirect_dma semaphore(%arg12 : memref<!tpu.dma_semaphore, #tpu.memory_space<semaphore_mem>>) src(%dma_wait3A_93 : memref<10000x128xi32, #tpu.memory_space<hbm>>) dst(%arg8 : memref<64x128xi32, #tpu.memory_space<vmem>>)
      %add3A_94 = arith.addi %add3A, %mul3A_35 : i32
      %add3A_95 = arith.constant 2 : i32
      %add3A_96 = arith.addi %add3A_94, %add3A_95 : i32
      %mul3A_97 = arith.constant 64 : i32
      %mul3A_98 = arith.muli %add3A_96, %mul3A_97 : i32
      "tpu.region"() ({
        %run_scoped3A = tpu.sem_alloc : memref<!tpu.dma_semaphore, #tpu.memory_space<semaphore_mem>>
        %dma_start3A_110 = arith.constant 0 : i32
        %dma_start3A_111 = tpu.memref_slice %arg4[%mul3A_98, %dma_start3A_110] : memref<163840x128xi32, #tpu.memory_space<hbm>> -> memref<64x128xi32, #tpu.memory_space<hbm>>
        %dma_start3A_112 = arith.constant 0 : i32
        %dma_start3A_113 = tpu.memref_slice %arg4[%mul3A_98, %dma_start3A_112] : memref<163840x128xi32, #tpu.memory_space<hbm>> -> memref<64x128xi32, #tpu.memory_space<hbm>>
        tpu.enqueue_dma source(%arg8 : memref<64x128xi32, #tpu.memory_space<vmem>>) target(%dma_start3A_113 : memref<64x128xi32, #tpu.memory_space<hbm>>) target_semaphore(%run_scoped3A : memref<!tpu.dma_semaphore, #tpu.memory_space<semaphore_mem>>)
        %dma_wait3A_114 = arith.constant 0 : i32
        %dma_wait3A_115 = tpu.memref_slice %arg4[%mul3A_98, %dma_wait3A_114] : memref<163840x128xi32, #tpu.memory_space<hbm>> -> memref<64x128xi32, #tpu.memory_space<hbm>>
        %dma_wait3A_116 = arith.constant 0 : i32
        %dma_wait3A_117 = tpu.memref_slice %arg4[%mul3A_98, %dma_wait3A_116] : memref<163840x128xi32, #tpu.memory_space<hbm>> -> memref<64x128xi32, #tpu.memory_space<hbm>>
        tpu.wait_dma2 semaphore(%run_scoped3A : memref<!tpu.dma_semaphore, #tpu.memory_space<semaphore_mem>>) src(%arg8 : memref<64x128xi32, #tpu.memory_space<vmem>>) dst(%dma_wait3A_117 : memref<64x128xi32, #tpu.memory_space<hbm>>)
        tpu.yield
      }) : () -> ()
      %dma_wait3A_99 = arith.constant 0 : i32
      %dma_wait3A_100 = tpu.memref_slice %arg5[%add3A_60, %dma_wait3A_99] : memref<80x64xi32, #tpu.memory_space<vmem>> -> memref<1x64xi32, #tpu.memory_space<vmem>>
      %dma_wait3A_101 = tpu.memref_squeeze %dma_wait3A_100 : memref<1x64xi32, #tpu.memory_space<vmem>> -> memref<64xi32, #tpu.memory_space<vmem>>
      %dma_wait3A_102 = arith.constant 0 : i32
      %dma_wait3A_103 = arith.constant 0 : i32
      %dma_wait3A_104 = tpu.memref_slice %arg2[%dma_wait3A_102, %dma_wait3A_103] : memref<10000x128xi32, #tpu.memory_space<hbm>> -> memref<10000x128xi32, #tpu.memory_space<hbm>>
      tpu.wait_indirect_dma semaphore(%arg13 : memref<!tpu.dma_semaphore, #tpu.memory_space<semaphore_mem>>) src(%dma_wait3A_104 : memref<10000x128xi32, #tpu.memory_space<hbm>>) dst(%arg9 : memref<64x128xi32, #tpu.memory_space<vmem>>)
      %add3A_105 = arith.addi %add3A, %mul3A_35 : i32
      %add3A_106 = arith.constant 3 : i32
      %add3A_107 = arith.addi %add3A_105, %add3A_106 : i32
      %mul3A_108 = arith.constant 64 : i32
      %mul3A_109 = arith.muli %add3A_107, %mul3A_108 : i32
      "tpu.region"() ({
        %run_scoped3A = tpu.sem_alloc : memref<!tpu.dma_semaphore, #tpu.memory_space<semaphore_mem>>
        %dma_start3A_110 = arith.constant 0 : i32
        %dma_start3A_111 = tpu.memref_slice %arg4[%mul3A_109, %dma_start3A_110] : memref<163840x128xi32, #tpu.memory_space<hbm>> -> memref<64x128xi32, #tpu.memory_space<hbm>>
        %dma_start3A_112 = arith.constant 0 : i32
        %dma_start3A_113 = tpu.memref_slice %arg4[%mul3A_109, %dma_start3A_112] : memref<163840x128xi32, #tpu.memory_space<hbm>> -> memref<64x128xi32, #tpu.memory_space<hbm>>
        tpu.enqueue_dma source(%arg9 : memref<64x128xi32, #tpu.memory_space<vmem>>) target(%dma_start3A_113 : memref<64x128xi32, #tpu.memory_space<hbm>>) target_semaphore(%run_scoped3A : memref<!tpu.dma_semaphore, #tpu.memory_space<semaphore_mem>>)
        %dma_wait3A_114 = arith.constant 0 : i32
        %dma_wait3A_115 = tpu.memref_slice %arg4[%mul3A_109, %dma_wait3A_114] : memref<163840x128xi32, #tpu.memory_space<hbm>> -> memref<64x128xi32, #tpu.memory_space<hbm>>
        %dma_wait3A_116 = arith.constant 0 : i32
        %dma_wait3A_117 = tpu.memref_slice %arg4[%mul3A_109, %dma_wait3A_116] : memref<163840x128xi32, #tpu.memory_space<hbm>> -> memref<64x128xi32, #tpu.memory_space<hbm>>
        tpu.wait_dma2 semaphore(%run_scoped3A : memref<!tpu.dma_semaphore, #tpu.memory_space<semaphore_mem>>) src(%arg9 : memref<64x128xi32, #tpu.memory_space<vmem>>) dst(%dma_wait3A_117 : memref<64x128xi32, #tpu.memory_space<hbm>>)
        tpu.yield
      }) : () -> ()
    }
    return
  }
}

module attributes {stable_mosaic.version = 14 : i64} {
  func.func @_up_body(%arg0: i32, %arg1: memref<2000x256xf32, #tpu.memory_space<vmem>>, %arg2: memref<64x64xf32, #tpu.memory_space<vmem>>, %arg3: memref<64x64xf32, #tpu.memory_space<vmem>>, %arg4: memref<2000x128xi32, #tpu.memory_space<vmem>>) attributes {dimension_semantics = [#tpu.dimension_semantics<arbitrary>], iteration_bounds = array<i64: 5>, scalar_prefetch = 0 : i64, scratch_operands = 0 : i64, tpu.core_type = #tpu.core_type<tc>, window_params = [{transform_indices = @transform_0, window_bounds = array<i64: 2000, 256>}, {pipeline_mode = #tpu.pipeline_mode<synchronous>, transform_indices = @transform_1, window_bounds = array<i64: 64, 64>}, {pipeline_mode = #tpu.pipeline_mode<synchronous>, transform_indices = @transform_2, window_bounds = array<i64: 64, 64>}, {transform_indices = @transform_3, window_bounds = array<i64: 2000, 128>}]} {
    %get3A = arith.constant 0 : index
    %get3A_0 = arith.constant 0 : index
    %get3A_1 = vector.load %arg1[%get3A, %get3A_0] : memref<2000x256xf32, #tpu.memory_space<vmem>>, vector<2000x256xf32>
    %get3A_2 = arith.constant 0 : index
    %get3A_3 = arith.constant 0 : index
    %get3A_4 = vector.load %arg2[%get3A_2, %get3A_3] : memref<64x64xf32, #tpu.memory_space<vmem>>, vector<64x64xf32>
    %get3A_5 = arith.constant 0 : index
    %get3A_6 = arith.constant 0 : index
    %get3A_7 = vector.load %arg3[%get3A_5, %get3A_6] : memref<64x64xf32, #tpu.memory_space<vmem>>, vector<64x64xf32>
    %slice3A = vector.extract_strided_slice %get3A_1 {offsets = [0, 0], sizes = [2000, 64], strides = [1, 1]} : vector<2000x256xf32> to vector<2000x64xf32>
    %dot_general3A = arith.constant dense<0.000000e+00> : vector<2000x64xf32>
    %dot_general3A_8 = tpu.matmul %slice3A, %get3A_4, %dot_general3A {dimension_numbers = #tpu.dot_dimension_numbers<[1], [0], [0], [1], [0, 0, 1, 1], [], []>, transpose_lhs_hint = false} : vector<2000x64xf32>, vector<64x64xf32>, vector<2000x64xf32> -> vector<2000x64xf32>
    %slice3A_9 = vector.extract_strided_slice %get3A_1 {offsets = [0, 64], sizes = [2000, 64], strides = [1, 1]} : vector<2000x256xf32> to vector<2000x64xf32>
    %dot_general3A_10 = arith.constant dense<0.000000e+00> : vector<2000x64xf32>
    %dot_general3A_11 = tpu.matmul %slice3A_9, %get3A_7, %dot_general3A_10 {dimension_numbers = #tpu.dot_dimension_numbers<[1], [0], [0], [1], [0, 0, 1, 1], [], []>, transpose_lhs_hint = false} : vector<2000x64xf32>, vector<64x64xf32>, vector<2000x64xf32> -> vector<2000x64xf32>
    %slice3A_12 = vector.extract_strided_slice %get3A_1 {offsets = [0, 128], sizes = [2000, 64], strides = [1, 1]} : vector<2000x256xf32> to vector<2000x64xf32>
    %dot_general3A_13 = arith.constant dense<0.000000e+00> : vector<2000x64xf32>
    %dot_general3A_14 = tpu.matmul %slice3A_12, %get3A_7, %dot_general3A_13 {dimension_numbers = #tpu.dot_dimension_numbers<[1], [0], [0], [1], [0, 0, 1, 1], [], []>, transpose_lhs_hint = false} : vector<2000x64xf32>, vector<64x64xf32>, vector<2000x64xf32> -> vector<2000x64xf32>
    %slice3A_15 = vector.extract_strided_slice %get3A_1 {offsets = [0, 192], sizes = [2000, 64], strides = [1, 1]} : vector<2000x256xf32> to vector<2000x64xf32>
    %dot_general3A_16 = arith.constant dense<0.000000e+00> : vector<2000x64xf32>
    %dot_general3A_17 = tpu.matmul %slice3A_15, %get3A_7, %dot_general3A_16 {dimension_numbers = #tpu.dot_dimension_numbers<[1], [0], [0], [1], [0, 0, 1, 1], [], []>, transpose_lhs_hint = false} : vector<2000x64xf32>, vector<64x64xf32>, vector<2000x64xf32> -> vector<2000x64xf32>
    %concatenate3A = tpu.concatenate %dot_general3A_8, %dot_general3A_11, %dot_general3A_14, %dot_general3A_17 in 1 : vector<2000x64xf32>, vector<2000x64xf32>, vector<2000x64xf32>, vector<2000x64xf32> -> vector<2000x256xf32>
    %mul3A = arith.constant 1.250000e-01 : f32
    %mul3A_18 = vector.broadcast %mul3A : f32 to vector<2000x256xf32>
    %mul3A_19 = arith.mulf %concatenate3A, %mul3A_18 : vector<2000x256xf32>
    %slice3A_20 = vector.extract_strided_slice %mul3A_19 {offsets = [0, 0], sizes = [2000, 128], strides = [1, 1]} : vector<2000x256xf32> to vector<2000x128xf32>
    %convert_element_type3A = arith.truncf %slice3A_20 : vector<2000x128xf32> to vector<2000x128xbf16>
    %bitcast_convert_type3A = tpu.bitcast %convert_element_type3A : vector<2000x128xbf16> -> vector<2000x128xi16>
    %convert_element_type3A_21 = arith.extui %bitcast_convert_type3A : vector<2000x128xi16> to vector<2000x128xi32>
    %slice3A_22 = vector.extract_strided_slice %mul3A_19 {offsets = [0, 128], sizes = [2000, 128], strides = [1, 1]} : vector<2000x256xf32> to vector<2000x128xf32>
    %convert_element_type3A_23 = arith.truncf %slice3A_22 : vector<2000x128xf32> to vector<2000x128xbf16>
    %bitcast_convert_type3A_24 = tpu.bitcast %convert_element_type3A_23 : vector<2000x128xbf16> -> vector<2000x128xi16>
    %convert_element_type3A_25 = arith.extui %bitcast_convert_type3A_24 : vector<2000x128xi16> to vector<2000x128xi32>
    %shift_left3A = arith.constant 16 : i32
    %shift_left3A_26 = vector.broadcast %shift_left3A : i32 to vector<2000x128xi32>
    %shift_left3A_27 = arith.shli %convert_element_type3A_25, %shift_left3A_26 : vector<2000x128xi32>
    %or3A = arith.ori %convert_element_type3A_21, %shift_left3A_27 : vector<2000x128xi32>
    %bitcast_convert_type3A_28 = tpu.bitcast %or3A : vector<2000x128xi32> -> vector<2000x128xi32>
    %swap3A = arith.constant 0 : index
    %swap3A_29 = arith.constant 0 : index
    %swap3A_30 = vector.load %arg4[%swap3A, %swap3A_29] : memref<2000x128xi32, #tpu.memory_space<vmem>>, vector<2000x128xi32>
    tpu.vector_store %arg4[%swap3A, %swap3A_29], %bitcast_convert_type3A_28 {strides = array<i32>} : memref<2000x128xi32, #tpu.memory_space<vmem>>, vector<2000x128xi32>,
    return
  }
  func.func @transform_0(%arg0: i32) -> (i32, i32) {
    %c0_i32 = arith.constant 0 : i32
    %c0_i32_0 = arith.constant 0 : i32
    return %arg0, %c0_i32 : i32, i32
  }
  func.func @transform_1(%arg0: i32) -> (i32, i32) {
    %c0_i32 = arith.constant 0 : i32
    %c0_i32_0 = arith.constant 0 : i32
    %c0_i32_1 = arith.constant 0 : i32
    return %c0_i32, %c0_i32_0 : i32, i32
  }
  func.func @transform_2(%arg0: i32) -> (i32, i32) {
    %c0_i32 = arith.constant 0 : i32
    %c0_i32_0 = arith.constant 0 : i32
    %c0_i32_1 = arith.constant 0 : i32
    return %c0_i32, %c0_i32_0 : i32, i32
  }
  func.func @transform_3(%arg0: i32) -> (i32, i32) {
    %c0_i32 = arith.constant 0 : i32
    %c0_i32_0 = arith.constant 0 : i32
    return %arg0, %c0_i32 : i32, i32
  }
}

module attributes {stable_mosaic.version = 14 : i64} {
  func.func @_edge_body(%arg0: i32, %arg1: memref<2048x3xf32, #tpu.memory_space<vmem>>, %arg2: memref<2048x1xf32, #tpu.memory_space<vmem>>, %arg3: memref<2048x128xi32, #tpu.memory_space<vmem>>, %arg4: memref<8x64xf32, #tpu.memory_space<vmem>>, %arg5: memref<1x64xf32, #tpu.memory_space<vmem>>, %arg6: memref<64x64xf32, #tpu.memory_space<vmem>>, %arg7: memref<1x64xf32, #tpu.memory_space<vmem>>, %arg8: memref<64x256xf32, #tpu.memory_space<vmem>>, %arg9: memref<1x256xf32, #tpu.memory_space<vmem>>, %arg10: memref<128x64xf32, #tpu.memory_space<vmem>>, %arg11: memref<128x64xf32, #tpu.memory_space<vmem>>, %arg12: memref<1x1xf32, #tpu.memory_space<vmem>>, %arg13: memref<2048x128xf32, #tpu.memory_space<vmem>>, %arg14: memref<2048x128xf32, #tpu.memory_space<vmem>>) attributes {dimension_semantics = [#tpu.dimension_semantics<arbitrary>], iteration_bounds = array<i64: 80>, scalar_prefetch = 0 : i64, scratch_operands = 0 : i64, tpu.core_type = #tpu.core_type<tc>, window_params = [{transform_indices = @transform_0, window_bounds = array<i64: 2048, 3>}, {transform_indices = @transform_1, window_bounds = array<i64: 2048, 1>}, {transform_indices = @transform_2, window_bounds = array<i64: 2048, 128>}, {pipeline_mode = #tpu.pipeline_mode<synchronous>, transform_indices = @transform_3, window_bounds = array<i64: 8, 64>}, {pipeline_mode = #tpu.pipeline_mode<synchronous>, transform_indices = @transform_4, window_bounds = array<i64: 1, 64>}, {pipeline_mode = #tpu.pipeline_mode<synchronous>, transform_indices = @transform_5, window_bounds = array<i64: 64, 64>}, {pipeline_mode = #tpu.pipeline_mode<synchronous>, transform_indices = @transform_6, window_bounds = array<i64: 1, 64>}, {pipeline_mode = #tpu.pipeline_mode<synchronous>, transform_indices = @transform_7, window_bounds = array<i64: 64, 256>}, {pipeline_mode = #tpu.pipeline_mode<synchronous>, transform_indices = @transform_8, window_bounds = array<i64: 1, 256>}, {pipeline_mode = #tpu.pipeline_mode<synchronous>, transform_indices = @transform_9, window_bounds = array<i64: 128, 64>}, {pipeline_mode = #tpu.pipeline_mode<synchronous>, transform_indices = @transform_10, window_bounds = array<i64: 128, 64>}, {pipeline_mode = #tpu.pipeline_mode<synchronous>, transform_indices = @transform_11, window_bounds = array<i64: 1, 1>}, {transform_indices = @transform_12, window_bounds = array<i64: 2048, 128>}, {transform_indices = @transform_13, window_bounds = array<i64: 2048, 128>}]} {
    %get3A = arith.constant 0 : index
    %get3A_0 = arith.constant 0 : index
    %get3A_1 = vector.load %arg1[%get3A, %get3A_0] : memref<2048x3xf32, #tpu.memory_space<vmem>>, vector<2048x3xf32>
    %mul3A = arith.mulf %get3A_1, %get3A_1 : vector<2048x3xf32>
    %reduce_sum3A = arith.constant dense<0.000000e+00> : vector<2048xf32>
    %reduce_sum3A_2 = vector.multi_reduction <add>, %mul3A, %reduce_sum3A [1] : vector<2048x3xf32> to vector<2048xf32>
    %broadcast_in_dim3A = vector.shape_cast %reduce_sum3A_2 : vector<2048xf32> to vector<2048x1xf32>
    %sqrt3A = math.sqrt %broadcast_in_dim3A : vector<2048x1xf32>
    %jit3A = arith.constant 9.99999996E-13 : f32
    %max3A = vector.broadcast %jit3A : f32 to vector<2048x1xf32>
    %max3A_3 = arith.maximumf %max3A, %sqrt3A : vector<2048x1xf32>
    %div3A = vector.broadcast %max3A_3 : vector<2048x1xf32> to vector<2048x3xf32>
    %div3A_4 = arith.divf %get3A_1, %div3A : vector<2048x3xf32>
    %mul3A_5 = arith.constant 1.73205078 : f32
    %mul3A_6 = vector.broadcast %mul3A_5 : f32 to vector<2048x3xf32>
    %mul3A_7 = arith.mulf %mul3A_6, %div3A_4 : vector<2048x3xf32>
    %get3A_8 = arith.constant 0 : index
    %get3A_9 = arith.constant 0 : index
    %get3A_10 = vector.load %arg2[%get3A_8, %get3A_9] : memref<2048x1xf32, #tpu.memory_space<vmem>>, vector<2048x1xf32>
    %mul3A_11 = arith.constant 2.000000e-01 : f32
    %mul3A_12 = vector.broadcast %mul3A_11 : f32 to vector<2048x1xf32>
    %mul3A_13 = arith.mulf %get3A_10, %mul3A_12 : vector<2048x1xf32>
    %jit3A_14 = arith.constant 0.000000e+00 : f32
    %jit3A_15 = arith.constant 1.000000e+00 : f32
    %max3A_16 = vector.broadcast %jit3A_14 : f32 to vector<2048x1xf32>
    %max3A_17 = arith.maximumf %max3A_16, %mul3A_13 : vector<2048x1xf32>
    %min3A = vector.broadcast %jit3A_15 : f32 to vector<2048x1xf32>
    %min3A_18 = arith.minimumf %min3A, %max3A_17 : vector<2048x1xf32>
    %iota3A = tpu.iota {dimensions = array<i32: 1>} : vector<1x8xi32>
    %convert_element_type3A = arith.sitofp %iota3A : vector<1x8xi32> to vector<1x8xf32>
    %mul3A_19 = arith.constant 0.142857149 : f32
    %mul3A_20 = vector.broadcast %mul3A_19 : f32 to vector<1x8xf32>
    %mul3A_21 = arith.mulf %convert_element_type3A, %mul3A_20 : vector<1x8xf32>
    %sub3A = vector.broadcast %min3A_18 : vector<2048x1xf32> to vector<2048x8xf32>
    %sub3A_22 = vector.broadcast %mul3A_21 : vector<1x8xf32> to vector<2048x8xf32>
    %sub3A_23 = arith.subf %sub3A, %sub3A_22 : vector<2048x8xf32>
    %mul3A_24 = arith.constant 7.000000e+00 : f32
    %mul3A_25 = vector.broadcast %mul3A_24 : f32 to vector<2048x8xf32>
    %mul3A_26 = arith.mulf %sub3A_23, %mul3A_25 : vector<2048x8xf32>
    %mul3A_27 = arith.constant -5.000000e-01 : f32
    %mul3A_28 = vector.broadcast %mul3A_27 : f32 to vector<2048x8xf32>
    %mul3A_29 = arith.mulf %mul3A_28, %mul3A_26 : vector<2048x8xf32>
    %mul3A_30 = arith.mulf %mul3A_29, %mul3A_26 : vector<2048x8xf32>
    %exp3A = math.exp %mul3A_30 : vector<2048x8xf32>
    %mul3A_31 = arith.constant 2.82842708 : f32
    %mul3A_32 = vector.broadcast %mul3A_31 : f32 to vector<2048x8xf32>
    %mul3A_33 = arith.mulf %exp3A, %mul3A_32 : vector<2048x8xf32>
    %le3A = arith.constant 5.000000e+00 : f32
    %le3A_34 = vector.broadcast %le3A : f32 to vector<2048x1xf32>
    %le3A_35 = arith.cmpf ole, %get3A_10, %le3A_34 : vector<2048x1xf32>
    %convert_element_type3A_36 = arith.extui %le3A_35 : vector<2048x1xi1> to vector<2048x1xi32>
    %convert_element_type3A_37 = arith.sitofp %convert_element_type3A_36 : vector<2048x1xi32> to vector<2048x1xf32>
    %mul3A_38 = vector.broadcast %convert_element_type3A_37 : vector<2048x1xf32> to vector<2048x8xf32>
    %mul3A_39 = arith.mulf %mul3A_33, %mul3A_38 : vector<2048x8xf32>
    %get3A_40 = arith.constant 0 : index
    %get3A_41 = arith.constant 0 : index
    %get3A_42 = vector.load %arg4[%get3A_40, %get3A_41] : memref<8x64xf32, #tpu.memory_space<vmem>>, vector<8x64xf32>
    %dot_general3A = arith.constant dense<0.000000e+00> : vector<2048x64xf32>
    %dot_general3A_43 = tpu.matmul %mul3A_39, %get3A_42, %dot_general3A {dimension_numbers = #tpu.dot_dimension_numbers<[1], [0], [0], [1], [0, 0, 1, 1], [], []>, transpose_lhs_hint = false} : vector<2048x8xf32>, vector<8x64xf32>, vector<2048x64xf32> -> vector<2048x64xf32>
    %get3A_44 = arith.constant 0 : index
    %get3A_45 = arith.constant 0 : index
    %get3A_46 = vector.load %arg5[%get3A_44, %get3A_45] : memref<1x64xf32, #tpu.memory_space<vmem>>, vector<1x64xf32>
    %add3A = vector.broadcast %get3A_46 : vector<1x64xf32> to vector<2048x64xf32>
    %add3A_47 = arith.addf %dot_general3A_43, %add3A : vector<2048x64xf32>
    %logistic3A = arith.negf %add3A_47 : vector<2048x64xf32>
    %logistic3A_48 = math.exp %logistic3A : vector<2048x64xf32>
    %logistic3A_49 = arith.constant 1.000000e+00 : f32
    %logistic3A_50 = vector.broadcast %logistic3A_49 : f32 to vector<2048x64xf32>
    %logistic3A_51 = arith.addf %logistic3A_50, %logistic3A_48 : vector<2048x64xf32>
    %logistic3A_52 = arith.divf %logistic3A_50, %logistic3A_51 : vector<2048x64xf32>
    %mul3A_53 = arith.mulf %add3A_47, %logistic3A_52 : vector<2048x64xf32>
    %get3A_54 = arith.constant 0 : index
    %get3A_55 = arith.constant 0 : index
    %get3A_56 = vector.load %arg6[%get3A_54, %get3A_55] : memref<64x64xf32, #tpu.memory_space<vmem>>, vector<64x64xf32>
    %dot_general3A_57 = arith.constant dense<0.000000e+00> : vector<2048x64xf32>
    %dot_general3A_58 = tpu.matmul %mul3A_53, %get3A_56, %dot_general3A_57 {dimension_numbers = #tpu.dot_dimension_numbers<[1], [0], [0], [1], [0, 0, 1, 1], [], []>, transpose_lhs_hint = false} : vector<2048x64xf32>, vector<64x64xf32>, vector<2048x64xf32> -> vector<2048x64xf32>
    %get3A_59 = arith.constant 0 : index
    %get3A_60 = arith.constant 0 : index
    %get3A_61 = vector.load %arg7[%get3A_59, %get3A_60] : memref<1x64xf32, #tpu.memory_space<vmem>>, vector<1x64xf32>
    %add3A_62 = vector.broadcast %get3A_61 : vector<1x64xf32> to vector<2048x64xf32>
    %add3A_63 = arith.addf %dot_general3A_58, %add3A_62 : vector<2048x64xf32>
    %logistic3A_64 = arith.negf %add3A_63 : vector<2048x64xf32>
    %logistic3A_65 = math.exp %logistic3A_64 : vector<2048x64xf32>
    %logistic3A_66 = arith.constant 1.000000e+00 : f32
    %logistic3A_67 = vector.broadcast %logistic3A_66 : f32 to vector<2048x64xf32>
    %logistic3A_68 = arith.addf %logistic3A_67, %logistic3A_65 : vector<2048x64xf32>
    %logistic3A_69 = arith.divf %logistic3A_67, %logistic3A_68 : vector<2048x64xf32>
    %mul3A_70 = arith.mulf %add3A_63, %logistic3A_69 : vector<2048x64xf32>
    %get3A_71 = arith.constant 0 : index
    %get3A_72 = arith.constant 0 : index
    %get3A_73 = vector.load %arg8[%get3A_71, %get3A_72] : memref<64x256xf32, #tpu.memory_space<vmem>>, vector<64x256xf32>
    %dot_general3A_74 = arith.constant dense<0.000000e+00> : vector<2048x256xf32>
    %dot_general3A_75 = tpu.matmul %mul3A_70, %get3A_73, %dot_general3A_74 {dimension_numbers = #tpu.dot_dimension_numbers<[1], [0], [0], [1], [0, 0, 1, 1], [], []>, transpose_lhs_hint = false} : vector<2048x64xf32>, vector<64x256xf32>, vector<2048x256xf32> -> vector<2048x256xf32>
    %get3A_76 = arith.constant 0 : index
    %get3A_77 = arith.constant 0 : index
    %get3A_78 = vector.load %arg9[%get3A_76, %get3A_77] : memref<1x256xf32, #tpu.memory_space<vmem>>, vector<1x256xf32>
    %add3A_79 = vector.broadcast %get3A_78 : vector<1x256xf32> to vector<2048x256xf32>
    %add3A_80 = arith.addf %dot_general3A_75, %add3A_79 : vector<2048x256xf32>
    %get3A_81 = arith.constant 0 : index
    %get3A_82 = arith.constant 0 : index
    %get3A_83 = vector.load %arg3[%get3A_81, %get3A_82] : memref<2048x128xi32, #tpu.memory_space<vmem>>, vector<2048x128xi32>
    %shift_left3A = arith.constant 16 : i32
    %shift_left3A_84 = vector.broadcast %shift_left3A : i32 to vector<2048x128xi32>
    %shift_left3A_85 = arith.shli %get3A_83, %shift_left3A_84 : vector<2048x128xi32>
    %bitcast_convert_type3A = tpu.bitcast %shift_left3A_85 : vector<2048x128xi32> -> vector<2048x128xf32>
    %and3A = arith.constant -65536 : i32
    %and3A_86 = vector.broadcast %and3A : i32 to vector<2048x128xi32>
    %and3A_87 = arith.andi %get3A_83, %and3A_86 : vector<2048x128xi32>
    %bitcast_convert_type3A_88 = tpu.bitcast %and3A_87 : vector<2048x128xi32> -> vector<2048x128xf32>
    %slice3A = vector.extract_strided_slice %bitcast_convert_type3A {offsets = [0, 0], sizes = [2048, 64], strides = [1, 1]} : vector<2048x128xf32> to vector<2048x64xf32>
    %slice3A_89 = vector.extract_strided_slice %bitcast_convert_type3A {offsets = [0, 64], sizes = [2048, 64], strides = [1, 1]} : vector<2048x128xf32> to vector<2048x64xf32>
    %slice3A_90 = vector.extract_strided_slice %bitcast_convert_type3A_88 {offsets = [0, 0], sizes = [2048, 64], strides = [1, 1]} : vector<2048x128xf32> to vector<2048x64xf32>
    %slice3A_91 = vector.extract_strided_slice %bitcast_convert_type3A_88 {offsets = [0, 64], sizes = [2048, 64], strides = [1, 1]} : vector<2048x128xf32> to vector<2048x64xf32>
    %slice3A_92 = vector.extract_strided_slice %mul3A_7 {offsets = [0, 0], sizes = [2048, 1], strides = [1, 1]} : vector<2048x3xf32> to vector<2048x1xf32>
    %mul3A_93 = vector.broadcast %slice3A_92 : vector<2048x1xf32> to vector<2048x64xf32>
    %mul3A_94 = arith.mulf %slice3A_89, %mul3A_93 : vector<2048x64xf32>
    %slice3A_95 = vector.extract_strided_slice %mul3A_7 {offsets = [0, 1], sizes = [2048, 1], strides = [1, 1]} : vector<2048x3xf32> to vector<2048x1xf32>
    %mul3A_96 = vector.broadcast %slice3A_95 : vector<2048x1xf32> to vector<2048x64xf32>
    %mul3A_97 = arith.mulf %slice3A_90, %mul3A_96 : vector<2048x64xf32>
    %add3A_98 = arith.addf %mul3A_94, %mul3A_97 : vector<2048x64xf32>
    %slice3A_99 = vector.extract_strided_slice %mul3A_7 {offsets = [0, 2], sizes = [2048, 1], strides = [1, 1]} : vector<2048x3xf32> to vector<2048x1xf32>
    %mul3A_100 = vector.broadcast %slice3A_99 : vector<2048x1xf32> to vector<2048x64xf32>
    %mul3A_101 = arith.mulf %slice3A_91, %mul3A_100 : vector<2048x64xf32>
    %add3A_102 = arith.addf %add3A_98, %mul3A_101 : vector<2048x64xf32>
    %slice3A_103 = vector.extract_strided_slice %add3A_80 {offsets = [0, 0], sizes = [2048, 64], strides = [1, 1]} : vector<2048x256xf32> to vector<2048x64xf32>
    %slice3A_104 = vector.extract_strided_slice %add3A_80 {offsets = [0, 64], sizes = [2048, 64], strides = [1, 1]} : vector<2048x256xf32> to vector<2048x64xf32>
    %slice3A_105 = vector.extract_strided_slice %add3A_80 {offsets = [0, 128], sizes = [2048, 64], strides = [1, 1]} : vector<2048x256xf32> to vector<2048x64xf32>
    %slice3A_106 = vector.extract_strided_slice %add3A_80 {offsets = [0, 192], sizes = [2048, 64], strides = [1, 1]} : vector<2048x256xf32> to vector<2048x64xf32>
    %get3A_107 = arith.constant 0 : index
    %get3A_108 = arith.constant 0 : index
    %get3A_109 = vector.load %arg10[%get3A_107, %get3A_108] : memref<128x64xf32, #tpu.memory_space<vmem>>, vector<128x64xf32>
    %get3A_110 = arith.constant 0 : index
    %get3A_111 = arith.constant 0 : index
    %get3A_112 = vector.load %arg11[%get3A_110, %get3A_111] : memref<128x64xf32, #tpu.memory_space<vmem>>, vector<128x64xf32>
    %mul3A_113 = arith.mulf %slice3A_103, %slice3A : vector<2048x64xf32>
    %mul3A_114 = arith.mulf %slice3A_106, %add3A_102 : vector<2048x64xf32>
    %mul3A_115 = arith.constant 0.577350259 : f32
    %mul3A_116 = vector.broadcast %mul3A_115 : f32 to vector<2048x64xf32>
    %mul3A_117 = arith.mulf %mul3A_114, %mul3A_116 : vector<2048x64xf32>
    %concatenate3A = tpu.concatenate %mul3A_113, %mul3A_117 in 1 : vector<2048x64xf32>, vector<2048x64xf32> -> vector<2048x128xf32>
    %dot_general3A_118 = arith.constant dense<0.000000e+00> : vector<2048x64xf32>
    %dot_general3A_119 = tpu.matmul %concatenate3A, %get3A_109, %dot_general3A_118 {dimension_numbers = #tpu.dot_dimension_numbers<[1], [0], [0], [1], [0, 0, 1, 1], [], []>, transpose_lhs_hint = false} : vector<2048x128xf32>, vector<128x64xf32>, vector<2048x64xf32> -> vector<2048x64xf32>
    %mul3A_120 = arith.mulf %slice3A_104, %slice3A : vector<2048x64xf32>
    %slice3A_121 = vector.extract_strided_slice %mul3A_7 {offsets = [0, 0], sizes = [2048, 1], strides = [1, 1]} : vector<2048x3xf32> to vector<2048x1xf32>
    %mul3A_122 = vector.broadcast %slice3A_121 : vector<2048x1xf32> to vector<2048x64xf32>
    %mul3A_123 = arith.mulf %mul3A_120, %mul3A_122 : vector<2048x64xf32>
    %mul3A_124 = arith.mulf %slice3A_105, %slice3A_89 : vector<2048x64xf32>
    %concatenate3A_125 = tpu.concatenate %mul3A_123, %mul3A_124 in 1 : vector<2048x64xf32>, vector<2048x64xf32> -> vector<2048x128xf32>
    %dot_general3A_126 = arith.constant dense<0.000000e+00> : vector<2048x64xf32>
    %dot_general3A_127 = tpu.matmul %concatenate3A_125, %get3A_112, %dot_general3A_126 {dimension_numbers = #tpu.dot_dimension_numbers<[1], [0], [0], [1], [0, 0, 1, 1], [], []>, transpose_lhs_hint = false} : vector<2048x128xf32>, vector<128x64xf32>, vector<2048x64xf32> -> vector<2048x64xf32>
    %slice3A_128 = vector.extract_strided_slice %mul3A_7 {offsets = [0, 1], sizes = [2048, 1], strides = [1, 1]} : vector<2048x3xf32> to vector<2048x1xf32>
    %mul3A_129 = vector.broadcast %slice3A_128 : vector<2048x1xf32> to vector<2048x64xf32>
    %mul3A_130 = arith.mulf %mul3A_120, %mul3A_129 : vector<2048x64xf32>
    %mul3A_131 = arith.mulf %slice3A_105, %slice3A_90 : vector<2048x64xf32>
    %concatenate3A_132 = tpu.concatenate %mul3A_130, %mul3A_131 in 1 : vector<2048x64xf32>, vector<2048x64xf32> -> vector<2048x128xf32>
    %dot_general3A_133 = arith.constant dense<0.000000e+00> : vector<2048x64xf32>
    %dot_general3A_134 = tpu.matmul %concatenate3A_132, %get3A_112, %dot_general3A_133 {dimension_numbers = #tpu.dot_dimension_numbers<[1], [0], [0], [1], [0, 0, 1, 1], [], []>, transpose_lhs_hint = false} : vector<2048x128xf32>, vector<128x64xf32>, vector<2048x64xf32> -> vector<2048x64xf32>
    %slice3A_135 = vector.extract_strided_slice %mul3A_7 {offsets = [0, 2], sizes = [2048, 1], strides = [1, 1]} : vector<2048x3xf32> to vector<2048x1xf32>
    %mul3A_136 = vector.broadcast %slice3A_135 : vector<2048x1xf32> to vector<2048x64xf32>
    %mul3A_137 = arith.mulf %mul3A_120, %mul3A_136 : vector<2048x64xf32>
    %mul3A_138 = arith.mulf %slice3A_105, %slice3A_91 : vector<2048x64xf32>
    %concatenate3A_139 = tpu.concatenate %mul3A_137, %mul3A_138 in 1 : vector<2048x64xf32>, vector<2048x64xf32> -> vector<2048x128xf32>
    %dot_general3A_140 = arith.constant dense<0.000000e+00> : vector<2048x64xf32>
    %dot_general3A_141 = tpu.matmul %concatenate3A_139, %get3A_112, %dot_general3A_140 {dimension_numbers = #tpu.dot_dimension_numbers<[1], [0], [0], [1], [0, 0, 1, 1], [], []>, transpose_lhs_hint = false} : vector<2048x128xf32>, vector<128x64xf32>, vector<2048x64xf32> -> vector<2048x64xf32>
    %get3A_142 = arith.constant 0 : index
    %get3A_143 = arith.constant 0 : index
    %get3A_144 = vector.load %arg12[%get3A_142, %get3A_143] : memref<1x1xf32, #tpu.memory_space<vmem>>, vector<1x1xf32>
    %get3A_145 = vector.extract %get3A_144[0, 0] : f32 from vector<1x1xf32>
    %mul3A_146 = arith.constant 2048 : i32
    %mul3A_147 = arith.muli %arg0, %mul3A_146 : i32
    %iota3A_148 = tpu.iota {dimensions = array<i32: 0>} : vector<2048x128xi32>
    %add3A_149 = vector.broadcast %mul3A_147 : i32 to vector<2048x128xi32>
    %add3A_150 = arith.addi %add3A_149, %iota3A_148 : vector<2048x128xi32>
    %lt3A = arith.constant 160000 : i32
    %lt3A_151 = vector.broadcast %lt3A : i32 to vector<2048x128xi32>
    %lt3A_152 = arith.cmpi slt, %add3A_150, %lt3A_151 : vector<2048x128xi32>
    %convert_element_type3A_153 = arith.extui %lt3A_152 : vector<2048x128xi1> to vector<2048x128xi32>
    %convert_element_type3A_154 = arith.sitofp %convert_element_type3A_153 : vector<2048x128xi32> to vector<2048x128xf32>
    %mul3A_155 = vector.broadcast %get3A_145 : f32 to vector<2048x128xf32>
    %mul3A_156 = arith.mulf %convert_element_type3A_154, %mul3A_155 : vector<2048x128xf32>
    %concatenate3A_157 = tpu.concatenate %dot_general3A_119, %dot_general3A_127 in 1 : vector<2048x64xf32>, vector<2048x64xf32> -> vector<2048x128xf32>
    %mul3A_158 = arith.mulf %concatenate3A_157, %mul3A_156 : vector<2048x128xf32>
    %swap3A = arith.constant 0 : index
    %swap3A_159 = arith.constant 0 : index
    %swap3A_160 = vector.load %arg13[%swap3A, %swap3A_159] : memref<2048x128xf32, #tpu.memory_space<vmem>>, vector<2048x128xf32>
    tpu.vector_store %arg13[%swap3A, %swap3A_159], %mul3A_158 {strides = array<i32>} : memref<2048x128xf32, #tpu.memory_space<vmem>>, vector<2048x128xf32>,
    %concatenate3A_161 = tpu.concatenate %dot_general3A_134, %dot_general3A_141 in 1 : vector<2048x64xf32>, vector<2048x64xf32> -> vector<2048x128xf32>
    %mul3A_162 = arith.mulf %concatenate3A_161, %mul3A_156 : vector<2048x128xf32>
    %swap3A_163 = arith.constant 0 : index
    %swap3A_164 = arith.constant 0 : index
    %swap3A_165 = vector.load %arg14[%swap3A_163, %swap3A_164] : memref<2048x128xf32, #tpu.memory_space<vmem>>, vector<2048x128xf32>
    tpu.vector_store %arg14[%swap3A_163, %swap3A_164], %mul3A_162 {strides = array<i32>} : memref<2048x128xf32, #tpu.memory_space<vmem>>, vector<2048x128xf32>,
    return
  }
  func.func @transform_0(%arg0: i32) -> (i32, i32) {
    %c0_i32 = arith.constant 0 : i32
    %c0_i32_0 = arith.constant 0 : i32
    return %arg0, %c0_i32 : i32, i32
  }
  func.func @transform_1(%arg0: i32) -> (i32, i32) {
    %c0_i32 = arith.constant 0 : i32
    %c0_i32_0 = arith.constant 0 : i32
    return %arg0, %c0_i32 : i32, i32
  }
  func.func @transform_2(%arg0: i32) -> (i32, i32) {
    %c0_i32 = arith.constant 0 : i32
    %c0_i32_0 = arith.constant 0 : i32
    return %arg0, %c0_i32 : i32, i32
  }
  func.func @transform_3(%arg0: i32) -> (i32, i32) {
    %c0_i32 = arith.constant 0 : i32
    %c0_i32_0 = arith.constant 0 : i32
    %c0_i32_1 = arith.constant 0 : i32
    return %c0_i32, %c0_i32_0 : i32, i32
  }
  func.func @transform_4(%arg0: i32) -> (i32, i32) {
    %c0_i32 = arith.constant 0 : i32
    %c0_i32_0 = arith.constant 0 : i32
    %c0_i32_1 = arith.constant 0 : i32
    return %c0_i32, %c0_i32_0 : i32, i32
  }
  func.func @transform_5(%arg0: i32) -> (i32, i32) {
    %c0_i32 = arith.constant 0 : i32
    %c0_i32_0 = arith.constant 0 : i32
    %c0_i32_1 = arith.constant 0 : i32
    return %c0_i32, %c0_i32_0 : i32, i32
  }
  func.func @transform_6(%arg0: i32) -> (i32, i32) {
    %c0_i32 = arith.constant 0 : i32
    %c0_i32_0 = arith.constant 0 : i32
    %c0_i32_1 = arith.constant 0 : i32
    return %c0_i32, %c0_i32_0 : i32, i32
  }
  func.func @transform_7(%arg0: i32) -> (i32, i32) {
    %c0_i32 = arith.constant 0 : i32
    %c0_i32_0 = arith.constant 0 : i32
    %c0_i32_1 = arith.constant 0 : i32
    return %c0_i32, %c0_i32_0 : i32, i32
  }
  func.func @transform_8(%arg0: i32) -> (i32, i32) {
    %c0_i32 = arith.constant 0 : i32
    %c0_i32_0 = arith.constant 0 : i32
    %c0_i32_1 = arith.constant 0 : i32
    return %c0_i32, %c0_i32_0 : i32, i32
  }
  func.func @transform_9(%arg0: i32) -> (i32, i32) {
    %c0_i32 = arith.constant 0 : i32
    %c0_i32_0 = arith.constant 0 : i32
    %c0_i32_1 = arith.constant 0 : i32
    return %c0_i32, %c0_i32_0 : i32, i32
  }
  func.func @transform_10(%arg0: i32) -> (i32, i32) {
    %c0_i32 = arith.constant 0 : i32
    %c0_i32_0 = arith.constant 0 : i32
    %c0_i32_1 = arith.constant 0 : i32
    return %c0_i32, %c0_i32_0 : i32, i32
  }
  func.func @transform_11(%arg0: i32) -> (i32, i32) {
    %c0_i32 = arith.constant 0 : i32
    %c0_i32_0 = arith.constant 0 : i32
    %c0_i32_1 = arith.constant 0 : i32
    return %c0_i32, %c0_i32_0 : i32, i32
  }
  func.func @transform_12(%arg0: i32) -> (i32, i32) {
    %c0_i32 = arith.constant 0 : i32
    %c0_i32_0 = arith.constant 0 : i32
    return %arg0, %c0_i32 : i32, i32
  }
  func.func @transform_13(%arg0: i32) -> (i32, i32) {
    %c0_i32 = arith.constant 0 : i32
    %c0_i32_0 = arith.constant 0 : i32
    return %arg0, %c0_i32 : i32, i32
  }
}

</mosaic_0001>

<sc_bundles>
// kernel: kernel.6.cloned.1.call-start
scs
__scs_entry_jumppad:
0x0: {  	(pc) =	sbr.rel $0x88, $3  }
0x1: {  	(tag) =	ssettag $0x0;
	lr =	simm.s32 $0x1  }
0x2: {  	[smem:$0x3F91] =	sst lr;
	_ =	strace $0xD0000000  }
0x3: {  	_ = 	snop  }
0x4: {  	_ = 	snop  }
0x5: {  	_ = 	snop  }
0x6: {  	_ = 	snop  }
0x7: {  	_ = 	snop  }
__scs_overlays_trampoline_lowered:
0x8: {  	[smem:$0x3FA0] =	sst s0  }
0x9: {  	[smem:$0x3FA1] =	sst s1  }
0xa: {  	[smem:$0x3FA2] =	sst s2  }
0xb: {  	[smem:$0x3FA3] =	sst s3  }
0xc: {  	[smem:$0x3FA4] =	sst s4  }
0xd: {  	[smem:$0x3FA5] =	sst s5  }
0xe: {  	[smem:$0x3FA6] =	sst s6  }
0xf: {  	[smem:$0x3FA7] =	sst s7  }
0x10: {  	[smem:$0x3FA8] =	sst s8  }
0x11: {  	[smem:$0x3FA9] =	sst s9;
	s0 =	simm.s32 @!p0 $0x0  }
0x12: {  	s1 =	sld [smem:$0x3F8F];
	s0 =	simm.s32 @p0 $0x1  }
0x13: {  	[smem:$0x3FAA] =	sst s0;
	s0 =	simm.s32 @!p1 $0x0  }
0x14: {  	s2 =	sld [smem:$0x3F8E];
	s0 =	simm.s32 @p1 $0x1  }
0x15: {  	[smem:$0x3FAB] =	sst s0;
	s0 =	simm.s32 @!p2 $0x0  }
0x16: {  	s3 =	sld [smem:$0x3FDB];
	s0 =	simm.s32 @p2 $0x1  }
0x17: {  	s4 =	simm.s32 $0x1BF5;
	[smem:$0x3FAD] =	sst s0  }
0x18: {  	s0 =	sld [smem:$0x3F90];
	_ =	swait.ge [sflag:s4], $0x0  }
0x19: {  	s7 =	sld [smem:$0x3F91]  }
0x1a: {  	s8 =	sadd.s32 $0xFFFFE003, lr  }
0x1b: {  	s9 =	sadd.s32 $0xFFFFFEF7, lr;
	s5 =	simm.s32 $0xFFFFFFFF;
	p2 =	slt.u32 s8, $0xFFFFF086  }
0x1c: {  	p1 =	slt.u32 s9, $0xF7A;
	s5 =	simm.s32 @!p2 $0x0  }
0x1d: {  	s5 =	simm.s32 @p1 $0x1;
	p0 =	seq.s32 s7, s2  }
0x1e: {  	s7 =	smul.u32 @!p0 $0xF7A, s2;
	p2 =	seq.s32 @!p0 s5, $0x0  }
0x1f: {  	s9 =	smul.u32 $0xF7A, s1;
	s8 =	simm.s32 @!p0 $0x1BF5;
	p2 =	por !p2, p0  }
0x20: {  	[sflag:s8] =	ssyncset.s32 @!p0 $0xFFFFF086;
	s6 =	sadd.s32 @!p0 s3, s7;
	s7 =	simm.s32 @!p0 $0x108  }
0x21: {  	s3 =	sadd.s32 s3, s9;
	s6 =	sadd.s32 @!p0 $0x88, s6;
	s7 =	simm.s32 @p2 $0x1082  }
0x22: {  	[simem:s7], [sflag:s8] =	dma.local @!p0 [hbm:s6], $0xF7A  }
0x23: {  	s9 =	sor.u32 $0xD0000000, s2;
	s6 =	simm.s32 $0x108;
	_ =	swait.ge @!p0 [sflag:s8], $0x0  }
0x24: {  	s3 =	sadd.s32 $0x88, s3;
	s6 =	simm.s32 @!p1 $0x1082;
	[sflag:s4] =	ssyncset.s32 $0xFFFFF086  }
0x25: {  	[simem:s6], [sflag:s4] =	dma.local [hbm:s3], $0xF7A  }
0x26: {  	[smem:$0x3F91] =	sst s1;
	(tag) =	ssettag s2;
	_ =	strace s9  }
0x27: {  	s1 =	sld [smem:$0x3FA1]  }
0x28: {  	s2 =	sld [smem:$0x3FA2]  }
0x29: {  	s4 =	sld [smem:$0x3FA4]  }
0x2a: {  	p0 =	seq.s32 s5, $0x0;
	s5 =	sld [smem:$0x3FA5]  }
0x2b: {  	s6 =	sld [smem:$0x3FA6]  }
0x2c: {  	s7 =	sld [smem:$0x3FA7]  }
0x2d: {  	s3 =	simm.s32 $0x108;
	s8 =	sld [smem:$0x3FA8]  }
0x2e: {  	s3 =	simm.s32 @!p0 $0x1082;
	s9 =	sld [smem:$0x3FA9]  }
0x2f: {  	lr =	sadd.s32 s0, s3;
	s0 =	sld [smem:$0x3FA0]  }
0x30: {  	s3 =	sld [smem:$0x3FA3]  }
0x31: {  	[smem:$0x3FAC] =	sst s10  }
0x32: {  	s10 =	sld [smem:$0x3FAA];
	_ =	sdelay $0x3  }
0x33: {  	p0 =	seq.s32 s10, $0x1;
	s10 =	sld [smem:$0x3FAC];
	_ =	sdelay $0x3  }
0x34: {  	[smem:$0x3FAC] =	sst s10  }
0x35: {  	s10 =	sld [smem:$0x3FAB];
	_ =	sdelay $0x3  }
0x36: {  	p1 =	seq.s32 s10, $0x1;
	s10 =	sld [smem:$0x3FAC];
	_ =	sdelay $0x3  }
0x37: {  	[smem:$0x3FAC] =	sst s10  }
0x38: {  	s10 =	sld [smem:$0x3FAD]  }
0x39: {  	_ = 	snop;
	(pc) =	sbr.ind lr, $3  }
0x3a: {  	_ = 	snop  }
0x3b: {  	_ = 	snop  }
0x3c: {  	p2 =	seq.s32 s10, $0x1;
	s10 =	sld [smem:$0x3FAC]  }
0x3d: {  	_ =	shalt  }
0x3e: {  	_ =	shalt  }
0x3f: {  	_ =	shalt  }
0x40: {  	_ =	shalt  }
0x41: {  	_ =	shalt  }
0x42: {  	_ =	shalt  }
0x43: {  	_ =	shalt  }
0x44: {  	_ =	shalt  }
0x45: {  	_ =	shalt  }
0x46: {  	_ =	shalt  }
0x47: {  	_ =	shalt  }
0x48: {  	_ =	shalt  }
0x49: {  	_ =	shalt  }
0x4a: {  	_ =	shalt  }
0x4b: {  	_ =	shalt  }
0x4c: {  	_ =	shalt  }
0x4d: {  	_ =	shalt  }
0x4e: {  	_ =	shalt  }
0x4f: {  	_ =	shalt  }
0x50: {  	_ =	shalt  }
0x51: {  	_ =	shalt  }
0x52: {  	_ =	shalt  }
0x53: {  	_ =	shalt  }
0x54: {  	_ =	shalt  }
0x55: {  	_ =	shalt  }
0x56: {  	_ =	shalt  }
0x57: {  	_ =	shalt  }
0x58: {  	_ =	shalt  }
0x59: {  	_ =	shalt  }
0x5a: {  	_ =	shalt  }
0x5b: {  	_ =	shalt  }
0x5c: {  	_ =	shalt  }
0x5d: {  	_ =	shalt  }
0x5e: {  	_ =	shalt  }
0x5f: {  	_ =	shalt  }
0x60: {  	_ =	shalt  }
0x61: {  	_ =	shalt  }
0x62: {  	_ =	shalt  }
0x63: {  	_ =	shalt  }
0x64: {  	_ =	shalt  }
0x65: {  	_ =	shalt  }
0x66: {  	_ =	shalt  }
0x67: {  	_ =	shalt  }
0x68: {  	_ =	shalt  }
0x69: {  	_ =	shalt  }
0x6a: {  	_ =	shalt  }
0x6b: {  	_ =	shalt  }
0x6c: {  	_ =	shalt  }
0x6d: {  	_ =	shalt  }
0x6e: {  	_ =	shalt  }
0x6f: {  	_ =	shalt  }
0x70: {  	_ =	shalt  }
0x71: {  	_ =	shalt  }
0x72: {  	_ =	shalt  }
0x73: {  	_ =	shalt  }
0x74: {  	_ =	shalt  }
0x75: {  	_ =	shalt  }
0x76: {  	_ =	shalt  }
0x77: {  	_ =	shalt  }
0x78: {  	_ =	shalt  }
0x79: {  	_ =	shalt  }
0x7a: {  	_ =	shalt  }
0x7b: {  	_ =	shalt  }
0x7c: {  	_ =	shalt  }
0x7d: {  	_ =	shalt  }
0x7e: {  	_ =	shalt  }
0x7f: {  	_ =	shalt  }
0x80: {  	_ =	shalt  }
0x81: {  	_ =	shalt  }
0x82: {  	_ =	shalt  }
0x83: {  	_ =	shalt  }
0x84: {  	_ =	shalt  }
0x85: {  	_ =	shalt  }
0x86: {  	_ =	shalt  }
0x87: {  	_ =	shalt  }
.Lfunc_end0:
.L_simem_size_0:
called_computation_lowered:
.L_overlay_start_0:
0x88: {  	s2 =	sld [smem:$0x3FD9]  }
0x89: {  	s3 =	sld [smem:$0x3FFE];
	_ =	sdelay $0x1  }
0x8a: {  	s1 =	srdreg.scid  }
0x8b: {  	s0 =	sand.u32 $0x1, s1  }
0x8c: {  	s17 =	sshll.u32 s0, $0xA;
	s2 =	sadd.s32 s3, s2  }
0x8d: {  	s2 =	sadd.s32 s2, s17  }
0x8e: {  	[smem:$0x3FB8] =	sst s2  }
0x8f: {  	_ = 	snop  }
0x90: {  	s2 =	sld [smem:$0x3FD0];
	(tm) =	ssettm $0x1  }
0x91: {  	s18 =	sld [smem:$0x3FFB];
	_ =	sdelay $0x3  }
0x92: {  	_ =	strace s18  }
0x93: {  	s3 =	sld [smem:$0x3FFC];
	_ =	sdelay $0x3  }
0x94: {  	_ =	strace s3  }
0x95: {  	s3 =	sld [smem:$0x3FFD];
	_ =	sdelay $0x3  }
0x96: {  	_ =	strace s3  }
0x97: {  	_ =	strace $0x8FFFFFFF  }
0x98: {  	s19 =	sld [smem:$0x3FDB];
	_ =	sdelay $0x1  }
0x99: {  	s4 =	simm.s32 $_scs_section_size  }
0x9a: {  	s5 =	simm.s32 $_size__tile_overlayer_lowered;
	s6 =	simm.s32 $_tile_overlayer_lowered  }
0x9b: {  	s22 =	simm.s32 $0x1BFF;
	s21 =	sshll.u32 s6, $0x1;
	s3 =	sadd.s32 s4, s19  }
0x9c: {  	s7 =	simm.s32 $0x0;
	s20 =	sshll.u32 s5, $0x1;
	s5 =	sadd.s32 s21, s3  }
0x9d: {  	[timem:s7], [sflag:s22] =	dma.local [hbm:s5], s20  }
0x9e: {  	_ =	swait.ge [sflag:s22], s20  }
0x9f: {  	s4 =	ssub.s32 $0x0, s20;
	[sflag:s22] =	ssyncset.done $0x0  }
0xa0: {  	[sflag:s22] =	ssyncadd.s32 s4;
	_ =	sdelay $0x1  }
0xa1: {  	s23 =	simm.s32 $0x1B8B  }
0xa2: {  	_ =	swait.ge [sflag:s23], $0x1  }
0xa3: {  	[sflag:s23] =	ssyncset.done $0x0  }
0xa4: {  	s25 =	simm.s32 $0x1B8E;
	s24 =	sld [smem:$0x3FFE];
	[sflag:s23] =	ssyncadd.s32 $0xFFFFFFFF  }
0xa5: {  	s26 =	simm.s32 $execute0_lowered;
	[smem:$0x3FD2] =	sst s25  }
0xa6: {  	s5 =	sshll.u32 s26, $0x1;
	_ =	strace $0x80000046;
	[dreg:$0x1] =	wrdreg $0xFFFFFFFF  }
0xa7: {  	s28 =	simm.s32 $_size_execute0_lowered;
	s3 =	sadd.s32 s3, s5;
	[dreg:$0x0] =	wrdreg $0x0  }
0xa8: {  	s5 =	sshll.u32 s28, $0x1;
	[dreg:$0x2] =	wrdreg s3  }
0xa9: {  	[dreg:$0x3] =	wrdreg s5  }
0xaa: {  	[dreg:$0x4] =	wrdreg $0xC0  }
0xab: {  	_ =	task [dreg:s7], $0x5FFFF  }
0xac: {  	[dreg:$0x1] =	wrdreg $0xFFFFFFFF  }
0xad: {  	[dreg:$0x0] =	wrdreg $0x60  }
0xae: {  	[dreg:$0x2] =	wrdreg s2  }
0xaf: {  	[dreg:$0x3] =	wrdreg s24  }
0xb0: {  	[dreg:$0x4] =	wrdreg $0x9  }
0xb1: {  	_ =	task.clear_ibuf [dreg:s7], $0x5FFFF;
	_ =	strace $0x90000046  }
0xb2: {  	s29 =	simm.s32 $0x9;
	_ =	strace $0x80000048  }
0xb3: {  	_ =	swait.ge [sflag:s29], $0x1  }
0xb4: {  	[sflag:s29] =	ssyncadd.s32 $0xFFFFFFFF  }
0xb5: {  	_ =	strace $0x90000048  }
0xb6: {  	_ =	sfence  }
0xb7: {  	s30 =	sld [smem:$0x0];
	_ =	sdelay $0x2  }
0xb8: {  	s31 =	sshll.u32 s1, $0xD;
	s1 =	sshrl.u32 s1, $0x2  }
0xb9: {  	s3 =	sand.u32 $0x4000, s31;
	s1 =	sadd.s32 s1, s30  }
0xba: {  	s0 =	sor.u32 s3, s0;
	s1 =	sshll.u32 s1, $0x11  }
0xbb: {  	s0 =	sor.u32 s1, s0  }
0xbc: {  	s0 =	sadd.s32 $0x8F2B, s0  }
0xbd: {  	[sflag:s0] =	ssyncadd.remote.s32 $0x1  }
0xbe: {  	_ =	sfence.sel $0xFFFF  }
0xbf: {  	[dreg:$0x0] =	wrdreg $0xFFFFFFFF;
	(pc) =	sbr.abs _section_cstart, $3  }
0xc0: {  	[dreg:$0x1] =	wrdreg $0xFFFFFFFF  }
0xc1: {  	_ =	task.clear_ibuf [dreg:s7], $0x2FFFF;
	_ =	strace $0x9FFFFFFF  }
0xc2: {  	(tm) =	ssettm $0x7FFFFFFF  }
0xc3: {  	_ =	shalt  }
tec
execute0_lowered:
.L_overlay_start_1:
0x0: {  	(tag) =	ssettag $0x1  }
0x1: {  	s2 =	rddreg [dreg:$0x0]  }
0x2: {  	s4 =	rddreg [dreg:$0x1]  }
0x3: {  	s0 =	rddreg [dreg:$0x2]  }
0x4: {  	s5 =	srdreg.scid;
	s1 =	stileid.u32  }
0x5: {  	s3 =	simm.s32 $0x0;
	s11 =	simm.s32 $0x6800;
	s12 =	simm.s32 $0x8800  }
0x6: {  	s13 =	simm.s32 $0x1;
	s14 =	simm.s32 $0x2;
	s15 =	simm.s32 $0x3  }
0x7: {  	s16 =	simm.s32 $0x4;
	s17 =	simm.s32 $0x0;
	s6 =	smul.u32 $0xA0, s1  }
0x8: {  	s5 =	sand.u32 $0x1, s5;
	[smem:$0x7FF] =	sst s3;
	s28 =	smul.u32 $0x28000, s1  }
0x9: {  	s7 =	smul.u32 $0x50, s5;
	_ =	strace $0x80000047;
	s8 =	ssub.s32 $0x2, s5  }
0xa: {  	s10 =	smul.u32 $0x14000, s5;
	s9 =	sshrl.u32 s8, $0x1;
	s30 =	sadd.s32 s28, s4  }
0xb: {  	s6 =	sadd.s32 s7, s6;
	s31 =	ssub.s32 s8, s9;
	s7 =	simm.s32 $0x5  }
0xc: {  	s8 =	simm.s32 $0x40;
	s9 =	simm.s32 $0x2800;
	s6 =	sshll.u32 s6, $0x4  }
0xd: {  	s5 =	smax.u32 s31, $0x1;
	s29 =	sadd.s32 s6, s4;
	s6 =	sadd.s32 s10, s30  }
0xe: {  	s10 =	simm.s32 $0x4800;
	s4 =	sadd.s32 $0x2A00, s29;
	s6 =	sadd.s32 $0xD600, s6  }
.LBB2_1:
0xf: {  	[tilespmem:s3], [sflag:$0x5] =	stream.linear.gather [hbm4b:s4+s3], $0x2800, $0x38;
	[tilespmem:$0xA800] =	vst v63  }
0x10: {  	_ =	swait.ge [sflag:s7], $0x2800  }
0x11: {  	[sflag:s7] =	ssyncset.done $0x0  }
0x12: {  	s18 =	simm.s32 $0x0;
	[sflag:s7] =	ssyncadd.s32 $0xFFFFD800  }
0x13: {  	[tilespmem:s9], [sflag:$0x1] =	stream.indirect.gather [hbm4b:s2+s8], $0x80, s18, s8, $0xb8;
	[tilespmem:$0xA800] =	vst v63  }
0x14: {  	s25 =	simm.s32 $0x80  }
0x15: {  	[tilespmem:s10], [sflag:$0x2] =	stream.indirect.gather [hbm4b:s2+s8], $0x80, s25, s8, $0xb8;
	[tilespmem:$0xA800] =	vst v63  }
0x16: {  	s26 =	simm.s32 $0x100  }
0x17: {  	[tilespmem:s11], [sflag:$0x3] =	stream.indirect.gather [hbm4b:s2+s8], $0x80, s26, s8, $0xb8;
	[tilespmem:$0xA800] =	vst v63  }
0x18: {  	s28 =	simm.s32 $0x180  }
0x19: {  	[tilespmem:s12], [sflag:$0x4] =	stream.indirect.gather [hbm4b:s2+s8], $0x80, s28, s8, $0xb8;
	[tilespmem:$0xA800] =	vst v63  }
0x1a: {  	_ =	swait.ge [sflag:s13], $0x2000  }
0x1b: {  	[sflag:s13] =	ssyncset.done $0x0  }
0x1c: {  	s29 =	sadd.s32 $0xFFFFF400, s6;
	[sflag:s13] =	ssyncadd.s32 $0xFFFFE000  }
0x1d: {  	[hbm4b:s29+s3] =	stream.linear.scatter [tilespmem:s9], [sflag:$0x5], $0x2000, $0x38;
	[tilespmem:$0xA800] =	vst v63  }
0x1e: {  	_ =	swait.ge [sflag:s7], $0x2000  }
0x1f: {  	[sflag:s7] =	ssyncset.done $0x0  }
0x20: {  	[sflag:s7] =	ssyncadd.s32 $0xFFFFE000  }
0x21: {  	_ =	swait.ge [sflag:s14], $0x2000  }
0x22: {  	[sflag:s14] =	ssyncset.done $0x0  }
0x23: {  	s30 =	sadd.s32 $0xFFFFF800, s6;
	[sflag:s14] =	ssyncadd.s32 $0xFFFFE000  }
0x24: {  	[hbm4b:s30+s3] =	stream.linear.scatter [tilespmem:s10], [sflag:$0x5], $0x2000, $0x38;
	[tilespmem:$0xA800] =	vst v63  }
0x25: {  	_ =	swait.ge [sflag:s7], $0x2000  }
0x26: {  	[sflag:s7] =	ssyncset.done $0x0  }
0x27: {  	[sflag:s7] =	ssyncadd.s32 $0xFFFFE000  }
0x28: {  	_ =	swait.ge [sflag:s15], $0x2000  }
0x29: {  	[sflag:s15] =	ssyncset.done $0x0  }
0x2a: {  	s31 =	sadd.s32 $0xFFFFFC00, s6;
	[sflag:s15] =	ssyncadd.s32 $0xFFFFE000  }
0x2b: {  	[hbm4b:s31+s3] =	stream.linear.scatter [tilespmem:s11], [sflag:$0x5], $0x2000, $0x38;
	[tilespmem:$0xA800] =	vst v63  }
0x2c: {  	_ =	swait.ge [sflag:s7], $0x2000  }
0x2d: {  	[sflag:s7] =	ssyncset.done $0x0  }
0x2e: {  	[sflag:s7] =	ssyncadd.s32 $0xFFFFE000  }
0x2f: {  	_ =	swait.ge [sflag:s16], $0x2000  }
0x30: {  	[sflag:s16] =	ssyncset.done $0x0  }
0x31: {  	[sflag:s16] =	ssyncadd.s32 $0xFFFFE000  }
0x32: {  	[hbm4b:s6+s3] =	stream.linear.scatter [tilespmem:s12], [sflag:$0x5], $0x2000, $0x38;
	[tilespmem:$0xA800] =	vst v63  }
0x33: {  	s19 =	simm.s32 $0x800;
	_ =	swait.ge [sflag:s7], $0x2000  }
0x34: {  	s21 =	simm.s32 $0x1000;
	s18 =	sadd.s32 $0x1000, s6;
	[sflag:s7] =	ssyncset.done $0x0  }
.LBB2_2:
0x35: {  	s22 =	sshra.s32 s19, $0x2  }
0x36: {  	[sflag:s7] =	ssyncadd.s32 $0xFFFFE000;
	s19 =	smov.u32 s21;
	s20 =	sadd.s32 $0x800, s21  }
0x37: {  	[tilespmem:s9], [sflag:$0x1] =	stream.indirect.gather [hbm4b:s2+s8], $0x80, s22, s8, $0xb8;
	[tilespmem:$0xA800] =	vst v63  }
0x38: {  	p0 =	sne.s32 s21, $0x9800;
	s21 =	sadd.s32 $0x80, s22  }
0x39: {  	[tilespmem:s10], [sflag:$0x2] =	stream.indirect.gather [hbm4b:s2+s8], $0x80, s21, s8, $0xb8;
	[tilespmem:$0xA800] =	vst v63  }
0x3a: {  	s21 =	sadd.s32 $0x100, s22  }
0x3b: {  	[tilespmem:s11], [sflag:$0x3] =	stream.indirect.gather [hbm4b:s2+s8], $0x80, s21, s8, $0xb8;
	[tilespmem:$0xA800] =	vst v63  }
0x3c: {  	s21 =	sadd.s32 $0x180, s22  }
0x3d: {  	[tilespmem:s12], [sflag:$0x4] =	stream.indirect.gather [hbm4b:s2+s8], $0x80, s21, s8, $0xb8;
	[tilespmem:$0xA800] =	vst v63  }
0x3e: {  	_ =	swait.ge [sflag:s13], $0x2000  }
0x3f: {  	[sflag:s13] =	ssyncset.done $0x0  }
0x40: {  	s21 =	sadd.s32 $0xFFFFF400, s18;
	[sflag:s13] =	ssyncadd.s32 $0xFFFFE000  }
0x41: {  	[hbm4b:s21+s3] =	stream.linear.scatter [tilespmem:s9], [sflag:$0x5], $0x2000, $0x38;
	[tilespmem:$0xA800] =	vst v63  }
0x42: {  	_ =	swait.ge [sflag:s7], $0x2000  }
0x43: {  	[sflag:s7] =	ssyncset.done $0x0  }
0x44: {  	[sflag:s7] =	ssyncadd.s32 $0xFFFFE000  }
0x45: {  	_ =	swait.ge [sflag:s14], $0x2000  }
0x46: {  	[sflag:s14] =	ssyncset.done $0x0  }
0x47: {  	s21 =	sadd.s32 $0xFFFFF800, s18;
	[sflag:s14] =	ssyncadd.s32 $0xFFFFE000  }
0x48: {  	[hbm4b:s21+s3] =	stream.linear.scatter [tilespmem:s10], [sflag:$0x5], $0x2000, $0x38;
	[tilespmem:$0xA800] =	vst v63  }
0x49: {  	_ =	swait.ge [sflag:s7], $0x2000  }
0x4a: {  	[sflag:s7] =	ssyncset.done $0x0  }
0x4b: {  	[sflag:s7] =	ssyncadd.s32 $0xFFFFE000  }
0x4c: {  	_ =	swait.ge [sflag:s15], $0x2000  }
0x4d: {  	[sflag:s15] =	ssyncset.done $0x0  }
0x4e: {  	s21 =	sadd.s32 $0xFFFFFC00, s18;
	[sflag:s15] =	ssyncadd.s32 $0xFFFFE000  }
0x4f: {  	[hbm4b:s21+s3] =	stream.linear.scatter [tilespmem:s11], [sflag:$0x5], $0x2000, $0x38;
	[tilespmem:$0xA800] =	vst v63  }
0x50: {  	_ =	swait.ge [sflag:s7], $0x2000  }
0x51: {  	[sflag:s7] =	ssyncset.done $0x0  }
0x52: {  	[sflag:s7] =	ssyncadd.s32 $0xFFFFE000  }
0x53: {  	_ =	swait.ge [sflag:s16], $0x2000  }
.Ltmp0:
0x54: {  	[sflag:s16] =	ssyncset.done $0x0;
	(pc) =	sbr.rel @p0 .LBB2_2-.Ltmp0, $4  }
0x55: {  	[sflag:s16] =	ssyncadd.s32 $0xFFFFE000  }
0x56: {  	[hbm4b:s18+s3] =	stream.linear.scatter [tilespmem:s12], [sflag:$0x5], $0x2000, $0x38;
	[tilespmem:$0xA800] =	vst v63  }
0x57: {  	_ =	swait.ge [sflag:s7], $0x2000  }
0x58: {  	s21 =	smov.u32 s20;
	s18 =	sadd.s32 $0x1000, s18;
	[sflag:s7] =	ssyncset.done $0x0  }
0x59: {  	s19 =	sshra.s32 s19, $0x2;
	[sflag:s7] =	ssyncadd.s32 $0xFFFFE000  }
0x5a: {  	[tilespmem:s9], [sflag:$0x1] =	stream.indirect.gather [hbm4b:s2+s8], $0x80, s19, s8, $0xb8;
	[tilespmem:$0xA800] =	vst v63  }
0x5b: {  	s20 =	sadd.s32 $0x80, s19  }
0x5c: {  	[tilespmem:s10], [sflag:$0x2] =	stream.indirect.gather [hbm4b:s2+s8], $0x80, s20, s8, $0xb8;
	[tilespmem:$0xA800] =	vst v63  }
0x5d: {  	s28 =	sadd.s32 $0x100, s19  }
0x5e: {  	[tilespmem:s11], [sflag:$0x3] =	stream.indirect.gather [hbm4b:s2+s8], $0x80, s28, s8, $0xb8;
	[tilespmem:$0xA800] =	vst v63  }
0x5f: {  	s19 =	sadd.s32 $0x180, s19  }
0x60: {  	[tilespmem:s12], [sflag:$0x4] =	stream.indirect.gather [hbm4b:s2+s8], $0x80, s19, s8, $0xb8;
	[tilespmem:$0xA800] =	vst v63  }
0x61: {  	_ =	swait.ge [sflag:s13], $0x2000  }
0x62: {  	[sflag:s13] =	ssyncset.done $0x0  }
0x63: {  	s29 =	sadd.s32 $0xFFFFF400, s18;
	[sflag:s13] =	ssyncadd.s32 $0xFFFFE000  }
0x64: {  	[hbm4b:s29+s3] =	stream.linear.scatter [tilespmem:s9], [sflag:$0x5], $0x2000, $0x38;
	[tilespmem:$0xA800] =	vst v63  }
0x65: {  	_ =	swait.ge [sflag:s7], $0x2000  }
0x66: {  	[sflag:s7] =	ssyncset.done $0x0  }
0x67: {  	[sflag:s7] =	ssyncadd.s32 $0xFFFFE000  }
0x68: {  	_ =	swait.ge [sflag:s14], $0x2000  }
0x69: {  	[sflag:s14] =	ssyncset.done $0x0  }
0x6a: {  	s30 =	sadd.s32 $0xFFFFF800, s18;
	[sflag:s14] =	ssyncadd.s32 $0xFFFFE000  }
0x6b: {  	[hbm4b:s30+s3] =	stream.linear.scatter [tilespmem:s10], [sflag:$0x5], $0x2000, $0x38;
	[tilespmem:$0xA800] =	vst v63  }
0x6c: {  	_ =	swait.ge [sflag:s7], $0x2000  }
0x6d: {  	[sflag:s7] =	ssyncset.done $0x0  }
0x6e: {  	[sflag:s7] =	ssyncadd.s32 $0xFFFFE000  }
0x6f: {  	_ =	swait.ge [sflag:s15], $0x2000  }
0x70: {  	[sflag:s15] =	ssyncset.done $0x0  }
0x71: {  	s31 =	sadd.s32 $0xFFFFFC00, s18;
	[sflag:s15] =	ssyncadd.s32 $0xFFFFE000  }
0x72: {  	[hbm4b:s31+s3] =	stream.linear.scatter [tilespmem:s11], [sflag:$0x5], $0x2000, $0x38;
	[tilespmem:$0xA800] =	vst v63  }
0x73: {  	_ =	swait.ge [sflag:s7], $0x2000  }
0x74: {  	[sflag:s7] =	ssyncset.done $0x0  }
0x75: {  	[sflag:s7] =	ssyncadd.s32 $0xFFFFE000  }
0x76: {  	s17 =	sadd.s32 $0x1, s17;
	_ =	swait.ge [sflag:s16], $0x2000  }
0x77: {  	p0 =	sne.s32 s17, s5;
	[sflag:s16] =	ssyncset.done $0x0  }
.Ltmp1:
0x78: {  	[sflag:s16] =	ssyncadd.s32 $0xFFFFE000;
	(pc) =	sbr.rel @p0 .LBB2_1-.Ltmp1, $4  }
0x79: {  	[hbm4b:s18+s3] =	stream.linear.scatter [tilespmem:s12], [sflag:$0x5], $0x2000, $0x38;
	[tilespmem:$0xA800] =	vst v63  }
0x7a: {  	_ =	swait.ge [sflag:s7], $0x2000  }
0x7b: {  	[sflag:s7] =	ssyncset.done $0x0  }
0x7c: {  	[sflag:s7] =	ssyncadd.s32 $0xFFFFE000  }
0x7d: {  	_ =	sfence.sel $0x180000  }
0x7e: {  	[bflag:$0x0] =	sbarrier.arrive $0xFFFF  }
0x7f: {  	p0 =	sne.s32 s1, $0x0;
	_ =	strace $0x90000047  }
0x80: {  	s0 =	sadd.s32 @!p0 $0x100000, s0;
	[bflag:$0x2] =	sbarrier.arrive $0xFFFF  }
0x81: {  	[sflag:s0] =	ssyncadd.tile.s32 @!p0 $0x1;
	_ =	shalt  }
.Lfunc_end2:
_tile_overlayer_lowered:
.L_overlay_start_2:
0x82: {  	(tag) =	ssettag $0x2  }
0x83: {  	s0 =	rddreg [dreg:$0x0];
	s2 =	stileid.u32  }
0x84: {  	s1 =	rddreg [dreg:$0x1];
	p0 =	sne.s32 s2, $0x0  }
0x85: {  	s3 =	rddreg [dreg:$0x2];
	[bflag:$0x3] =	sbarrier.arrive $0xFFFF;
	s2 =	simm.s32 @!p0 $0x1C05  }
0x86: {  	[timem:s3], [sflag:s2] =	dma.local @!p0 [hbm:s0], s1  }
0x87: {  	s0 =	simm.s32 @!p0 $0x5  }
0x88: {  	_ =	swait.ge @!p0 [sflag:s0], s1  }
0x89: {  	s1 =	ssub.s32 @!p0 $0x0, s1;
	[sflag:s0] =	ssyncset.done @!p0 $0x0  }
0x8a: {  	[sflag:s0] =	ssyncadd.s32 @!p0 s1  }
0x8b: {  	[bflag:$0x3] =	sbarrier.arrive $0xFFFF  }
0x8c: {  	_ =	shalt  }

// kernel: kernel.9.cloned.1.call-start
scs
__scs_entry_jumppad:
0x0: {  	(pc) =	sbr.rel $0x88, $3  }
0x1: {  	(tag) =	ssettag $0x0;
	lr =	simm.s32 $0x1  }
0x2: {  	[smem:$0x3F91] =	sst lr;
	_ =	strace $0xD0000000  }
0x3: {  	_ = 	snop  }
0x4: {  	_ = 	snop  }
0x5: {  	_ = 	snop  }
0x6: {  	_ = 	snop  }
0x7: {  	_ = 	snop  }
__scs_overlays_trampoline_lowered:
0x8: {  	[smem:$0x3FA0] =	sst s0  }
0x9: {  	[smem:$0x3FA1] =	sst s1  }
0xa: {  	[smem:$0x3FA2] =	sst s2  }
0xb: {  	[smem:$0x3FA3] =	sst s3  }
0xc: {  	[smem:$0x3FA4] =	sst s4  }
0xd: {  	[smem:$0x3FA5] =	sst s5  }
0xe: {  	[smem:$0x3FA6] =	sst s6  }
0xf: {  	[smem:$0x3FA7] =	sst s7  }
0x10: {  	[smem:$0x3FA8] =	sst s8  }
0x11: {  	[smem:$0x3FA9] =	sst s9;
	s0 =	simm.s32 @!p0 $0x0  }
0x12: {  	s1 =	sld [smem:$0x3F8F];
	s0 =	simm.s32 @p0 $0x1  }
0x13: {  	[smem:$0x3FAA] =	sst s0;
	s0 =	simm.s32 @!p1 $0x0  }
0x14: {  	s2 =	sld [smem:$0x3F8E];
	s0 =	simm.s32 @p1 $0x1  }
0x15: {  	[smem:$0x3FAB] =	sst s0;
	s0 =	simm.s32 @!p2 $0x0  }
0x16: {  	s3 =	sld [smem:$0x3FDB];
	s0 =	simm.s32 @p2 $0x1  }
0x17: {  	s4 =	simm.s32 $0x1BF5;
	[smem:$0x3FAD] =	sst s0  }
0x18: {  	s0 =	sld [smem:$0x3F90];
	_ =	swait.ge [sflag:s4], $0x0  }
0x19: {  	s7 =	sld [smem:$0x3F91]  }
0x1a: {  	s8 =	sadd.s32 $0xFFFFE003, lr  }
0x1b: {  	s9 =	sadd.s32 $0xFFFFFEF7, lr;
	s5 =	simm.s32 $0xFFFFFFFF;
	p2 =	slt.u32 s8, $0xFFFFF086  }
0x1c: {  	p1 =	slt.u32 s9, $0xF7A;
	s5 =	simm.s32 @!p2 $0x0  }
0x1d: {  	s5 =	simm.s32 @p1 $0x1;
	p0 =	seq.s32 s7, s2  }
0x1e: {  	s7 =	smul.u32 @!p0 $0xF7A, s2;
	p2 =	seq.s32 @!p0 s5, $0x0  }
0x1f: {  	s9 =	smul.u32 $0xF7A, s1;
	s8 =	simm.s32 @!p0 $0x1BF5;
	p2 =	por !p2, p0  }
0x20: {  	[sflag:s8] =	ssyncset.s32 @!p0 $0xFFFFF086;
	s6 =	sadd.s32 @!p0 s3, s7;
	s7 =	simm.s32 @!p0 $0x108  }
0x21: {  	s3 =	sadd.s32 s3, s9;
	s6 =	sadd.s32 @!p0 $0x88, s6;
	s7 =	simm.s32 @p2 $0x1082  }
0x22: {  	[simem:s7], [sflag:s8] =	dma.local @!p0 [hbm:s6], $0xF7A  }
0x23: {  	s9 =	sor.u32 $0xD0000000, s2;
	s6 =	simm.s32 $0x108;
	_ =	swait.ge @!p0 [sflag:s8], $0x0  }
0x24: {  	s3 =	sadd.s32 $0x88, s3;
	s6 =	simm.s32 @!p1 $0x1082;
	[sflag:s4] =	ssyncset.s32 $0xFFFFF086  }
0x25: {  	[simem:s6], [sflag:s4] =	dma.local [hbm:s3], $0xF7A  }
0x26: {  	[smem:$0x3F91] =	sst s1;
	(tag) =	ssettag s2;
	_ =	strace s9  }
0x27: {  	s1 =	sld [smem:$0x3FA1]  }
0x28: {  	s2 =	sld [smem:$0x3FA2]  }
0x29: {  	s4 =	sld [smem:$0x3FA4]  }
0x2a: {  	p0 =	seq.s32 s5, $0x0;
	s5 =	sld [smem:$0x3FA5]  }
0x2b: {  	s6 =	sld [smem:$0x3FA6]  }
0x2c: {  	s7 =	sld [smem:$0x3FA7]  }
0x2d: {  	s3 =	simm.s32 $0x108;
	s8 =	sld [smem:$0x3FA8]  }
0x2e: {  	s3 =	simm.s32 @!p0 $0x1082;
	s9 =	sld [smem:$0x3FA9]  }
0x2f: {  	lr =	sadd.s32 s0, s3;
	s0 =	sld [smem:$0x3FA0]  }
0x30: {  	s3 =	sld [smem:$0x3FA3]  }
0x31: {  	[smem:$0x3FAC] =	sst s10  }
0x32: {  	s10 =	sld [smem:$0x3FAA];
	_ =	sdelay $0x3  }
0x33: {  	p0 =	seq.s32 s10, $0x1;
	s10 =	sld [smem:$0x3FAC];
	_ =	sdelay $0x3  }
0x34: {  	[smem:$0x3FAC] =	sst s10  }
0x35: {  	s10 =	sld [smem:$0x3FAB];
	_ =	sdelay $0x3  }
0x36: {  	p1 =	seq.s32 s10, $0x1;
	s10 =	sld [smem:$0x3FAC];
	_ =	sdelay $0x3  }
0x37: {  	[smem:$0x3FAC] =	sst s10  }
0x38: {  	s10 =	sld [smem:$0x3FAD]  }
0x39: {  	_ = 	snop;
	(pc) =	sbr.ind lr, $3  }
0x3a: {  	_ = 	snop  }
0x3b: {  	_ = 	snop  }
0x3c: {  	p2 =	seq.s32 s10, $0x1;
	s10 =	sld [smem:$0x3FAC]  }
0x3d: {  	_ =	shalt  }
0x3e: {  	_ =	shalt  }
0x3f: {  	_ =	shalt  }
0x40: {  	_ =	shalt  }
0x41: {  	_ =	shalt  }
0x42: {  	_ =	shalt  }
0x43: {  	_ =	shalt  }
0x44: {  	_ =	shalt  }
0x45: {  	_ =	shalt  }
0x46: {  	_ =	shalt  }
0x47: {  	_ =	shalt  }
0x48: {  	_ =	shalt  }
0x49: {  	_ =	shalt  }
0x4a: {  	_ =	shalt  }
0x4b: {  	_ =	shalt  }
0x4c: {  	_ =	shalt  }
0x4d: {  	_ =	shalt  }
0x4e: {  	_ =	shalt  }
0x4f: {  	_ =	shalt  }
0x50: {  	_ =	shalt  }
0x51: {  	_ =	shalt  }
0x52: {  	_ =	shalt  }
0x53: {  	_ =	shalt  }
0x54: {  	_ =	shalt  }
0x55: {  	_ =	shalt  }
0x56: {  	_ =	shalt  }
0x57: {  	_ =	shalt  }
0x58: {  	_ =	shalt  }
0x59: {  	_ =	shalt  }
0x5a: {  	_ =	shalt  }
0x5b: {  	_ =	shalt  }
0x5c: {  	_ =	shalt  }
0x5d: {  	_ =	shalt  }
0x5e: {  	_ =	shalt  }
0x5f: {  	_ =	shalt  }
0x60: {  	_ =	shalt  }
0x61: {  	_ =	shalt  }
0x62: {  	_ =	shalt  }
0x63: {  	_ =	shalt  }
0x64: {  	_ =	shalt  }
0x65: {  	_ =	shalt  }
0x66: {  	_ =	shalt  }
0x67: {  	_ =	shalt  }
0x68: {  	_ =	shalt  }
0x69: {  	_ =	shalt  }
0x6a: {  	_ =	shalt  }
0x6b: {  	_ =	shalt  }
0x6c: {  	_ =	shalt  }
0x6d: {  	_ =	shalt  }
0x6e: {  	_ =	shalt  }
0x6f: {  	_ =	shalt  }
0x70: {  	_ =	shalt  }
0x71: {  	_ =	shalt  }
0x72: {  	_ =	shalt  }
0x73: {  	_ =	shalt  }
0x74: {  	_ =	shalt  }
0x75: {  	_ =	shalt  }
0x76: {  	_ =	shalt  }
0x77: {  	_ =	shalt  }
0x78: {  	_ =	shalt  }
0x79: {  	_ =	shalt  }
0x7a: {  	_ =	shalt  }
0x7b: {  	_ =	shalt  }
0x7c: {  	_ =	shalt  }
0x7d: {  	_ =	shalt  }
0x7e: {  	_ =	shalt  }
0x7f: {  	_ =	shalt  }
0x80: {  	_ =	shalt  }
0x81: {  	_ =	shalt  }
0x82: {  	_ =	shalt  }
0x83: {  	_ =	shalt  }
0x84: {  	_ =	shalt  }
0x85: {  	_ =	shalt  }
0x86: {  	_ =	shalt  }
0x87: {  	_ =	shalt  }
.Lfunc_end0:
.L_simem_size_0:
called_computation.1_lowered:
.L_overlay_start_0:
0x88: {  	s2 =	sld [smem:$0x3FD9]  }
0x89: {  	s3 =	sld [smem:$0x3FFE];
	_ =	sdelay $0x1  }
0x8a: {  	s1 =	srdreg.scid  }
0x8b: {  	s0 =	sand.u32 $0x1, s1  }
0x8c: {  	s17 =	sshll.u32 s0, $0xA;
	s2 =	sadd.s32 s3, s2  }
0x8d: {  	s2 =	sadd.s32 s2, s17  }
0x8e: {  	[smem:$0x3FB8] =	sst s2  }
0x8f: {  	_ = 	snop  }
0x90: {  	s2 =	sld [smem:$0x3FD0];
	(tm) =	ssettm $0x1  }
0x91: {  	s18 =	sld [smem:$0x3FFB];
	_ =	sdelay $0x3  }
0x92: {  	_ =	strace s18  }
0x93: {  	s3 =	sld [smem:$0x3FFC];
	_ =	sdelay $0x3  }
0x94: {  	_ =	strace s3  }
0x95: {  	s3 =	sld [smem:$0x3FFD];
	_ =	sdelay $0x3  }
0x96: {  	_ =	strace s3  }
0x97: {  	_ =	strace $0x8FFFFFFF  }
0x98: {  	s19 =	sld [smem:$0x3FDB];
	_ =	sdelay $0x1  }
0x99: {  	s4 =	simm.s32 $_scs_section_size  }
0x9a: {  	s5 =	simm.s32 $_size__tile_overlayer_lowered;
	s6 =	simm.s32 $_tile_overlayer_lowered  }
0x9b: {  	s22 =	simm.s32 $0x1BFF;
	s21 =	sshll.u32 s6, $0x1;
	s3 =	sadd.s32 s4, s19  }
0x9c: {  	s7 =	simm.s32 $0x0;
	s20 =	sshll.u32 s5, $0x1;
	s5 =	sadd.s32 s21, s3  }
0x9d: {  	[timem:s7], [sflag:s22] =	dma.local [hbm:s5], s20  }
0x9e: {  	_ =	swait.ge [sflag:s22], s20  }
0x9f: {  	s4 =	ssub.s32 $0x0, s20;
	[sflag:s22] =	ssyncset.done $0x0  }
0xa0: {  	[sflag:s22] =	ssyncadd.s32 s4;
	_ =	sdelay $0x1  }
0xa1: {  	s23 =	simm.s32 $0x1B8B  }
0xa2: {  	_ =	swait.ge [sflag:s23], $0x1  }
0xa3: {  	[sflag:s23] =	ssyncset.done $0x0  }
0xa4: {  	s25 =	simm.s32 $0x1B8E;
	s24 =	sld [smem:$0x3FFE];
	[sflag:s23] =	ssyncadd.s32 $0xFFFFFFFF  }
0xa5: {  	s26 =	simm.s32 $execute0_lowered;
	[smem:$0x3FD2] =	sst s25  }
0xa6: {  	s5 =	sshll.u32 s26, $0x1;
	_ =	strace $0x80000049;
	[dreg:$0x1] =	wrdreg $0xFFFFFFFF  }
0xa7: {  	s28 =	simm.s32 $_size_execute0_lowered;
	s3 =	sadd.s32 s3, s5;
	[dreg:$0x0] =	wrdreg $0x0  }
0xa8: {  	s5 =	sshll.u32 s28, $0x1;
	[dreg:$0x2] =	wrdreg s3  }
0xa9: {  	[dreg:$0x3] =	wrdreg s5  }
0xaa: {  	[dreg:$0x4] =	wrdreg $0xC0  }
0xab: {  	_ =	task [dreg:s7], $0x5FFFF  }
0xac: {  	[dreg:$0x1] =	wrdreg $0xFFFFFFFF  }
0xad: {  	[dreg:$0x0] =	wrdreg $0x60  }
0xae: {  	[dreg:$0x2] =	wrdreg s24  }
0xaf: {  	[dreg:$0x3] =	wrdreg s2  }
0xb0: {  	[dreg:$0x4] =	wrdreg $0x0  }
0xb1: {  	[dreg:$0x5] =	wrdreg $0x9  }
0xb2: {  	_ =	task.clear_ibuf [dreg:s7], $0x6FFFF;
	_ =	strace $0x90000049  }
0xb3: {  	s29 =	simm.s32 $0x9;
	_ =	strace $0x8000004B  }
0xb4: {  	_ =	swait.ge [sflag:s29], $0x1  }
0xb5: {  	[sflag:s29] =	ssyncadd.s32 $0xFFFFFFFF  }
0xb6: {  	_ =	strace $0x9000004B  }
0xb7: {  	_ =	sfence  }
0xb8: {  	s30 =	sld [smem:$0x0];
	_ =	sdelay $0x2  }
0xb9: {  	s31 =	sshll.u32 s1, $0xD;
	s1 =	sshrl.u32 s1, $0x2  }
0xba: {  	s3 =	sand.u32 $0x4000, s31;
	s1 =	sadd.s32 s1, s30  }
0xbb: {  	s0 =	sor.u32 s3, s0;
	s1 =	sshll.u32 s1, $0x11  }
0xbc: {  	s0 =	sor.u32 s1, s0  }
0xbd: {  	s0 =	sadd.s32 $0x8F2B, s0  }
0xbe: {  	[sflag:s0] =	ssyncadd.remote.s32 $0x1  }
0xbf: {  	_ =	sfence.sel $0xFFFF  }
0xc0: {  	[dreg:$0x0] =	wrdreg $0xFFFFFFFF;
	(pc) =	sbr.abs _section_cstart, $3  }
0xc1: {  	[dreg:$0x1] =	wrdreg $0xFFFFFFFF  }
0xc2: {  	_ =	task.clear_ibuf [dreg:s7], $0x2FFFF;
	_ =	strace $0x9FFFFFFF  }
0xc3: {  	(tm) =	ssettm $0x7FFFFFFF  }
tec
execute0_lowered:
.L_overlay_start_1:
0x0: {  	(tag) =	ssettag $0x1  }
0x1: {  	s0 =	rddreg [dreg:$0x0]  }
0x2: {  	s4 =	rddreg [dreg:$0x1]  }
0x3: {  	s2 =	rddreg [dreg:$0x2];
	s1 =	stileid.u32  }
0x4: {  	s3 =	simm.s32 $0x0;
	s6 =	srdreg.scid;
	s11 =	simm.s32 $0x3  }
0x5: {  	s13 =	simm.s32 $0x16800;
	s14 =	simm.s32 $0x4;
	s15 =	simm.s32 $0x2  }
0x6: {  	s16 =	simm.s32 $0x1A800;
	s18 =	simm.s32 $0x0;
	s5 =	smul.u32 $0x28000, s1  }
0x7: {  	[smem:$0x7FF] =	sst s3;
	s17 =	smul.u32 $0x2800, s1;
	s12 =	sand.u32 $0x1, s6  }
0x8: {  	s8 =	smul.u32 $0x50000, s1;
	s31 =	sshll.u32 s1, $0x6;
	_ =	strace $0x8000004A  }
0x9: {  	s26 =	smul.u32 $0x28000, s12;
	s7 =	ssub.s32 $0x2, s12;
	p0 =	sne.s32 s12, $0x0  }
0xa: {  	s12 =	simm.s32 $0x80;
	s9 =	sadd.s32 s5, s0;
	s28 =	sshrl.u32 s17, $0x3  }
0xb: {  	s29 =	sshrl.u32 s7, $0x1;
	s30 =	sshrl.u32 s8, $0x2;
	s4 =	sadd.s32 s4, s17  }
0xc: {  	s5 =	sor.u32 $0x1C03, s31;
	s6 =	sadd.s32 s28, s0;
	s0 =	sadd.s32 s26, s0  }
0xd: {  	s7 =	ssub.s32 s7, s29;
	s8 =	sadd.s32 $0x291C00, s9;
	s9 =	sadd.s32 $0xC6EA00, s9  }
0xe: {  	s10 =	sadd.s32 s30, s2;
	s6 =	sadd.s32 $0x28CC00, s6;
	s0 =	sadd.s32 $0x2A00, s0  }
0xf: {  	s7 =	smax.u32 s7, $0x1;
	s10 =	sshrl.u32 s10, $0x3;
	s17 =	sadd.s32 s17, s0  }
.LBB2_1:
0x10: {  	[spmem:s10], [sflag:s5] =	dma.local [hbm:s4], $0x2800  }
0x11: {  	_ =	swait.ge [sflag:s11], $0x2800  }
0x12: {  	[sflag:s11] =	ssyncset.done $0x0  }
0x13: {  	s0 =	simm.s32 $0x14000;
	[sflag:s11] =	ssyncadd.s32 $0xFFFFD800  }
0x14: {  	[tilespmem:s0], [sflag:$0x3] =	stream.linear.gather [hbm4b:s6+s3], $0x2800, $0x38;
	[tilespmem:$0x1E800] =	vst v63  }
0x15: {  	_ =	swait.ge [sflag:s11], $0x2800  }
0x16: {  	[sflag:s11] =	ssyncset.done $0x0  }
0x17: {  	s21 =	sadd.s32 @p0 $0x0, s9;
	[sflag:s11] =	ssyncadd.s32 $0xFFFFD800  }
0x18: {  	s19 =	simm.s32 @p0 $0x0;
	s20 =	simm.s32 @p0 $0x16800;
	[bflag:$0x0] =	sbarrier.arrive $0xFFFF  }
0x19: {  	[tilespmem:s20], [sflag:$0x1] =	stream.linear.gather @p0 [hbm4b:s21+s19], $0x4000, $0x38;
	[tilespmem:$0x1E800] =	vst v63  }
0x1a: {  	s23 =	simm.s32 @p0 $0x1;
	s22 =	sadd.s32 @p0 $0x800, s21;
	s21 =	simm.s32 @p0 $0x1A800  }
0x1b: {  	[tilespmem:s21], [sflag:$0x2] =	stream.linear.gather @p0 [hbm4b:s22+s19], $0x4000, $0x38;
	[tilespmem:$0x1E800] =	vst v63  }
0x1c: {  	_ =	swait.ge @p0 [sflag:s23], $0x4000  }
0x1d: {  	s24 =	simm.s32 @!p0 $0x16800;
	[sflag:s23] =	ssyncset.done @p0 $0x0  }
0x1e: {  	s25 =	simm.s32 @!p0 $0x0;
	s22 =	sadd.s32 @!p0 $0x0, s8;
	[sflag:s23] =	ssyncadd.s32 @p0 $0xFFFFC000  }
0x1f: {  	[tilespmem:s24], [sflag:$0x1] =	stream.linear.gather @!p0 [hbm4b:s22+s25], $0x4000, $0x38;
	[tilespmem:$0x1E800] =	vst v63  }
0x20: {  	s26 =	simm.s32 @!p0 $0x1A800;
	s28 =	simm.s32 @!p0 $0x1;
	s22 =	sadd.s32 @!p0 $0x800, s22  }
0x21: {  	[tilespmem:s26], [sflag:$0x2] =	stream.linear.gather @!p0 [hbm4b:s22+s25], $0x4000, $0x38;
	[tilespmem:$0x1E800] =	vst v63  }
0x22: {  	_ =	swait.ge @!p0 [sflag:s28], $0x4000  }
0x23: {  	[sflag:s28] =	ssyncset.done @!p0 $0x0  }
0x24: {  	[sflag:s28] =	ssyncadd.s32 @!p0 $0xFFFFC000  }
0x25: {  	[spmem:s2] =	stream.indirect.scatter.add.f32 [tilespmem:s13], [sflag:$0x4], $0x80, s0, s12, $0xb8;
	[tilespmem:$0x1E800] =	vst v63  }
0x26: {  	_ =	swait.ge [sflag:s14], $0x4000  }
0x27: {  	[sflag:s14] =	ssyncset.done $0x0  }
0x28: {  	[sflag:s14] =	ssyncadd.s32 $0xFFFFC000  }
0x29: {  	_ =	swait.ge [sflag:s15], $0x4000  }
0x2a: {  	s29 =	simm.s32 @!p0 $0x4;
	[sflag:s15] =	ssyncset.done $0x0  }
0x2b: {  	s29 =	simm.s32 @p0 $0x3;
	s22 =	simm.s32 $0x14080;
	[sflag:s15] =	ssyncadd.s32 $0xFFFFC000  }
0x2c: {  	[spmem:s2] =	stream.indirect.scatter.add.f32 [tilespmem:s16], [sflag:s29], $0x80, s22, s12, $0xb8;
	[tilespmem:$0x1E800] =	vst v63  }
0x2d: {  	s30 =	simm.s32 $0x1000;
	s31 =	simm.s32 $0x2000;
	_ =	swait.ge [sflag:s29], $0x4000  }
0x2e: {  	s0 =	sadd.s32 @p0 $0x1000, s9;
	s22 =	simm.s32 $0x14100;
	[sflag:s29] =	ssyncset.done $0x0  }
.LBB2_2:
0x2f: {  	[sflag:s29] =	ssyncadd.s32 $0xFFFFC000  }
0x30: {  	[tilespmem:s20], [sflag:$0x1] =	stream.linear.gather @p0 [hbm4b:s0+s19], $0x4000, $0x38;
	[tilespmem:$0x1E800] =	vst v63  }
0x31: {  	s0 =	sadd.s32 @p0 $0x800, s0  }
0x32: {  	[tilespmem:s21], [sflag:$0x2] =	stream.linear.gather @p0 [hbm4b:s0+s19], $0x4000, $0x38;
	[tilespmem:$0x1E800] =	vst v63  }
0x33: {  	s0 =	smov.u32 s31;
	s31 =	sadd.s32 $0x1000, s31;
	_ =	swait.ge @p0 [sflag:s23], $0x4000  }
0x34: {  	p1 =	sne.s32 s31, $0x28000;
	[sflag:s23] =	ssyncset.done @p0 $0x0  }
0x35: {  	s30 =	sadd.s32 @!p0 s30, s8;
	[sflag:s23] =	ssyncadd.s32 @p0 $0xFFFFC000  }
0x36: {  	[tilespmem:s24], [sflag:$0x1] =	stream.linear.gather @!p0 [hbm4b:s30+s25], $0x4000, $0x38;
	[tilespmem:$0x1E800] =	vst v63  }
0x37: {  	s30 =	sadd.s32 @!p0 $0x800, s30  }
0x38: {  	[tilespmem:s26], [sflag:$0x2] =	stream.linear.gather @!p0 [hbm4b:s30+s25], $0x4000, $0x38;
	[tilespmem:$0x1E800] =	vst v63  }
0x39: {  	s30 =	smov.u32 s0;
	_ =	swait.ge @!p0 [sflag:s28], $0x4000  }
0x3a: {  	[sflag:s28] =	ssyncset.done @!p0 $0x0  }
0x3b: {  	[sflag:s28] =	ssyncadd.s32 @!p0 $0xFFFFC000  }
0x3c: {  	[spmem:s2] =	stream.indirect.scatter.add.f32 [tilespmem:s13], [sflag:$0x4], $0x80, s22, s12, $0xb8;
	[tilespmem:$0x1E800] =	vst v63  }
0x3d: {  	_ =	swait.ge [sflag:s14], $0x4000  }
0x3e: {  	[sflag:s14] =	ssyncset.done $0x0  }
0x3f: {  	[sflag:s14] =	ssyncadd.s32 $0xFFFFC000  }
0x40: {  	_ =	swait.ge [sflag:s15], $0x4000  }
.Ltmp0:
0x41: {  	[sflag:s15] =	ssyncset.done $0x0;
	(pc) =	sbr.rel @p1 .LBB2_2-.Ltmp0, $4  }
0x42: {  	s0 =	sadd.s32 $0x80, s22;
	[sflag:s15] =	ssyncadd.s32 $0xFFFFC000  }
0x43: {  	[spmem:s2] =	stream.indirect.scatter.add.f32 [tilespmem:s16], [sflag:s29], $0x80, s0, s12, $0xb8;
	[tilespmem:$0x1E800] =	vst v63  }
0x44: {  	_ =	swait.ge [sflag:s29], $0x4000  }
0x45: {  	s22 =	sadd.s32 $0x100, s22;
	s0 =	sadd.s32 @p0 s30, s9;
	[sflag:s29] =	ssyncset.done $0x0  }
0x46: {  	s19 =	simm.s32 @p0 $0x0;
	s20 =	simm.s32 @p0 $0x16800;
	[sflag:s29] =	ssyncadd.s32 $0xFFFFC000  }
0x47: {  	[tilespmem:s20], [sflag:$0x1] =	stream.linear.gather @p0 [hbm4b:s0+s19], $0x4000, $0x38;
	[tilespmem:$0x1E800] =	vst v63  }
0x48: {  	s21 =	simm.s32 @p0 $0x1;
	s0 =	sadd.s32 @p0 $0x800, s0;
	s20 =	simm.s32 @p0 $0x1A800  }
0x49: {  	[tilespmem:s20], [sflag:$0x2] =	stream.linear.gather @p0 [hbm4b:s0+s19], $0x4000, $0x38;
	[tilespmem:$0x1E800] =	vst v63  }
0x4a: {  	_ =	swait.ge @p0 [sflag:s21], $0x4000  }
0x4b: {  	s0 =	simm.s32 @!p0 $0x16800;
	[sflag:s21] =	ssyncset.done @p0 $0x0  }
0x4c: {  	s19 =	sadd.s32 @!p0 s30, s8;
	s20 =	simm.s32 @!p0 $0x0;
	[sflag:s21] =	ssyncadd.s32 @p0 $0xFFFFC000  }
0x4d: {  	[tilespmem:s0], [sflag:$0x1] =	stream.linear.gather @!p0 [hbm4b:s19+s20], $0x4000, $0x38;
	[tilespmem:$0x1E800] =	vst v63  }
0x4e: {  	s21 =	simm.s32 @!p0 $0x1;
	s0 =	sadd.s32 @!p0 $0x800, s19;
	s19 =	simm.s32 @!p0 $0x1A800  }
0x4f: {  	[tilespmem:s19], [sflag:$0x2] =	stream.linear.gather @!p0 [hbm4b:s0+s20], $0x4000, $0x38;
	[tilespmem:$0x1E800] =	vst v63  }
0x50: {  	_ =	swait.ge @!p0 [sflag:s21], $0x4000  }
0x51: {  	[sflag:s21] =	ssyncset.done @!p0 $0x0  }
0x52: {  	[sflag:s21] =	ssyncadd.s32 @!p0 $0xFFFFC000  }
0x53: {  	[spmem:s2] =	stream.indirect.scatter.add.f32 [tilespmem:s13], [sflag:$0x4], $0x80, s22, s12, $0xb8;
	[tilespmem:$0x1E800] =	vst v63  }
0x54: {  	_ =	swait.ge [sflag:s14], $0x4000  }
0x55: {  	[sflag:s14] =	ssyncset.done $0x0  }
0x56: {  	[sflag:s14] =	ssyncadd.s32 $0xFFFFC000  }
0x57: {  	_ =	swait.ge [sflag:s15], $0x4000  }
0x58: {  	s0 =	simm.s32 @!p0 $0x4;
	[sflag:s15] =	ssyncset.done $0x0  }
0x59: {  	s31 =	sadd.s32 $0x80, s22;
	s0 =	simm.s32 @p0 $0x3;
	[sflag:s15] =	ssyncadd.s32 $0xFFFFC000  }
0x5a: {  	[spmem:s2] =	stream.indirect.scatter.add.f32 [tilespmem:s16], [sflag:s0], $0x80, s31, s12, $0xb8;
	[tilespmem:$0x1E800] =	vst v63  }
0x5b: {  	_ =	swait.ge [sflag:s0], $0x4000  }
0x5c: {  	s18 =	sadd.s32 $0x1, s18;
	[sflag:s0] =	ssyncset.done $0x0  }
0x5d: {  	p1 =	sne.s32 s18, s7;
	[sflag:s0] =	ssyncadd.s32 $0xFFFFC000  }
.Ltmp1:
0x5e: {  	[bflag:$0x0] =	sbarrier.arrive $0xFFFF;
	(pc) =	sbr.rel @p1 .LBB2_1-.Ltmp1, $4  }
0x5f: {  	[hbm:s17], [sflag:s5] =	dma.local [spmem:s10], $0x2800  }
0x60: {  	_ =	swait.ge [sflag:s11], $0x2800  }
0x61: {  	[sflag:s11] =	ssyncset.done $0x0  }
0x62: {  	[sflag:s11] =	ssyncadd.s32 $0xFFFFD800  }
0x63: {  	_ =	sfence.sel $0x180000  }
0x64: {  	[bflag:$0x0] =	sbarrier.arrive $0xFFFF  }
0x65: {  	_ =	strace $0x9000004A  }
0x66: {  	[bflag:$0x2] =	sbarrier.arrive $0xFFFF  }
0x67: {  	p0 =	sne.s32 s1, $0x0;
	s0 =	rddreg [dreg:$0x3]  }
0x68: {  	s0 =	sadd.s32 @!p0 $0x100000, s0  }
0x69: {  	[sflag:s0] =	ssyncadd.tile.s32 @!p0 $0x1;
	_ =	shalt  }
.Lfunc_end2:
_tile_overlayer_lowered:
.L_overlay_start_2:
0x6a: {  	(tag) =	ssettag $0x2  }
0x6b: {  	s0 =	rddreg [dreg:$0x0];
	s2 =	stileid.u32  }
0x6c: {  	s1 =	rddreg [dreg:$0x1];
	p0 =	sne.s32 s2, $0x0  }
0x6d: {  	s3 =	rddreg [dreg:$0x2];
	[bflag:$0x3] =	sbarrier.arrive $0xFFFF;
	s2 =	simm.s32 @!p0 $0x1C03  }
0x6e: {  	[timem:s3], [sflag:s2] =	dma.local @!p0 [hbm:s0], s1  }
0x6f: {  	s0 =	simm.s32 @!p0 $0x3  }
0x70: {  	_ =	swait.ge @!p0 [sflag:s0], s1  }
0x71: {  	s1 =	ssub.s32 @!p0 $0x0, s1;
	[sflag:s0] =	ssyncset.done @!p0 $0x0  }
0x72: {  	[sflag:s0] =	ssyncadd.s32 @!p0 s1  }
0x73: {  	[bflag:$0x3] =	sbarrier.arrive $0xFFFF  }
0x74: {  	_ =	shalt  }

</sc_bundles>
